<compile_context>
chip_gen: v7x
topology: tpu7x:2x2x1
jax: 0.10.2.dev20260603
libtpu: 0.0.44.dev20260713+nightly
codegen_flags: <defaults>
</compile_context>

<pallas_src>
import jax
import jax.numpy as jnp
from jax import lax
from jax.experimental import pallas as pl
from jax.experimental.pallas import tpu as pltpu
from jax.experimental.pallas import tpu_sc as plsc

_B, _N, _S, _NS = 4, 16384, 1024, 32
_R2 = 0.25
_CIN = 64
_D = 128
_ROWS = 8
_COLS = _N // _ROWS
_BIGF = float(_N)



def _fps_body(xs_ref, ys_ref, zs_ref, si_ref, nx_ref, dist_ref):
    f32 = jnp.float32
    shp = (_B, _ROWS, _COLS)
    iota = (
        lax.broadcasted_iota(jnp.int32, shp, 1) * _COLS
        + lax.broadcasted_iota(jnp.int32, shp, 2)
    ).astype(f32)
    dist_ref[...] = jnp.full(shp, 1e10, f32)

    def body(i, far):
        onehot = (iota == far).astype(f32)
        xs = xs_ref[...]
        ys = ys_ref[...]
        zs = zs_ref[...]
        cx = jnp.sum(jnp.sum(xs * onehot, axis=1, keepdims=True), axis=2, keepdims=True)
        cy = jnp.sum(jnp.sum(ys * onehot, axis=1, keepdims=True), axis=2, keepdims=True)
        cz = jnp.sum(jnp.sum(zs * onehot, axis=1, keepdims=True), axis=2, keepdims=True)
        si_ref[:, pl.ds(i, 1), :] = far.astype(jnp.int32)
        nx_ref[:, pl.ds(i, 1), :] = jnp.concatenate([cx, cy, cz], axis=2)
        dx = xs - cx
        dy = ys - cy
        dz = zs - cz
        d = (dx * dx + dz * dz) + dy * dy
        dmin = jnp.minimum(dist_ref[...], d)
        dist_ref[...] = dmin
        m = jnp.max(jnp.max(dmin, axis=1, keepdims=True), axis=2, keepdims=True)
        cand = jnp.where(dmin == m, iota, f32(3.0e10))
        far2 = jnp.min(jnp.min(cand, axis=1, keepdims=True), axis=2, keepdims=True)
        return far2

    lax.fori_loop(0, _S, body, jnp.zeros((_B, 1, 1), f32))


def _fps(xyz):
    xs = xyz[..., 0].reshape(_B, _ROWS, _COLS)
    ys = xyz[..., 1].reshape(_B, _ROWS, _COLS)
    zs = xyz[..., 2].reshape(_B, _ROWS, _COLS)
    si, nx = pl.pallas_call(
        _fps_body,
        out_shape=[
            jax.ShapeDtypeStruct((_B, _S, 1), jnp.int32),
            jax.ShapeDtypeStruct((_B, _S, 3), jnp.float32),
        ],
        scratch_shapes=[pltpu.VMEM((_B, _ROWS, _COLS), jnp.float32)],
    )(xs, ys, zs)
    return si[..., 0], nx



_SB = 128
_CH = 4096


_NW = _N // 32


def _ball_body(xt_ref, c_ref, plo_ref, phi_ref, o_ref):
    f32 = jnp.float32
    i32 = jnp.int32
    b = pl.program_id(0)
    c = c_ref[0]
    cx = c[:, 0:1]
    cy = c[:, 1:2]
    cz = c[:, 2:3]

    dn = (((1,), (0,)), ((), ()))
    wparts = []
    for k in range(_N // _CH):
        sl = pl.ds(k * _CH, _CH)
        xr = xt_ref[0, 0:1, sl]
        yr = xt_ref[0, 1:2, sl]
        zr = xt_ref[0, 2:3, sl]
        dx = xr - cx
        dy = yr - cy
        dz = zr - cz
        d = (dx * dx + dz * dz) + dy * dy
        bitsb = (d <= _R2).astype(jnp.bfloat16)
        wlo = lax.dot_general(bitsb, plo_ref[...], dn, preferred_element_type=f32)
        whi = lax.dot_general(bitsb, phi_ref[...], dn, preferred_element_type=f32)
        wparts.append(wlo.astype(i32) + (whi.astype(i32) << 16))
    words0 = jnp.concatenate(wparts, axis=1)

    lane32 = lax.broadcasted_iota(i32, (1, _NS), 1).astype(f32)
    wiota = lax.broadcasted_iota(i32, (1, _NW), 1).astype(f32)

    def ext(j, state):
        w, acc = state
        nz = w != 0
        cw = jnp.min(jnp.where(nz, wiota, f32(_NW)), axis=1, keepdims=True)
        oh = (wiota == cw).astype(i32)
        wsel = jnp.sum(w * oh, axis=1, keepdims=True)
        lsb = wsel & (-wsel)
        lf = jnp.abs(lsb.astype(f32))
        bit = (lax.bitcast_convert_type(lf, i32) >> 23) - 127
        idxf = cw * f32(32.0) + bit.astype(f32)
        idxf = jnp.where(cw < _NW, idxf, f32(_BIGF))
        return w - oh * lsb, acc + idxf * (lane32 == j.astype(f32)).astype(f32)

    _, acc = lax.fori_loop(
        0, _NS, ext, (words0, jnp.zeros((_SB, _NS), f32))
    )
    first = acc[:, 0:1]
    acc = jnp.where(acc == _BIGF, first, acc)
    acc = jnp.where(acc == _BIGF, 0.0, acc)
    o_ref[0] = acc.astype(i32) + b * _N


def _ball(xyzT, new_xyz, plo, phi):
    return pl.pallas_call(
        _ball_body,
        grid=(_B, _S // _SB),
        in_specs=[
            pl.BlockSpec((1, 3, _N), lambda b, s: (b, 0, 0)),
            pl.BlockSpec((1, _SB, 3), lambda b, s: (b, s, 0)),
            pl.BlockSpec((_CH, _CH // 32), lambda b, s: (0, 0)),
            pl.BlockSpec((_CH, _CH // 32), lambda b, s: (0, 0)),
        ],
        out_specs=pl.BlockSpec((1, _SB, _NS), lambda b, s: (b, s, 0)),
        out_shape=jax.ShapeDtypeStruct((_B, _S, _NS), jnp.int32),
    )(xyzT, new_xyz, plo, phi)


def _pack_mats():
    n = jnp.arange(_CH, dtype=jnp.int32)
    w = jnp.arange(_CH // 32, dtype=jnp.int32)
    blk = (n[:, None] // 32) == w[None, :]
    bit = n % 32
    lo = jnp.where(blk & (bit[:, None] < 16), 2.0 ** bit.astype(jnp.float32)[:, None], 0.0)
    hi = jnp.where(blk & (bit[:, None] >= 16), 2.0 ** (bit - 16).astype(jnp.float32)[:, None], 0.0)
    return lo.astype(jnp.bfloat16), hi.astype(jnp.bfloat16)



_NIDX = _B * _S * _NS
_GW = 128


def _sc_gather(table, idx_flat):
    mesh = plsc.VectorSubcoreMesh(core_axis_name="core", subcore_axis_name="subcore")

    @pl.kernel(
        out_type=jax.ShapeDtypeStruct((_NIDX, _D), jnp.float32),
        mesh=mesh,
    )
    def gather_kernel(x_hbm, i_hbm, o_hbm):
        def body(i_vmem, o_vmem):
            pltpu.sync_copy(x_hbm.at[i_vmem.at[0]], o_vmem)

        pltpu.emit_pipeline(
            body,
            grid=(_NIDX // _GW,),
            in_specs=[pl.BlockSpec((1, _GW), index_map=lambda i: (0, i))],
            out_specs=[pl.BlockSpec((_GW, _D), index_map=lambda i: (i, 0))],
            core_axis_name=("core", "subcore"),
            dimension_semantics=(pltpu.PARALLEL,),
        )(i_hbm, o_hbm)

    return gather_kernel(table, idx_flat)



_SBM = 128
_COUT = 128


def _mlp_body(g_ref, nx_ref, w1_ref, g1_ref, b1_ref, w2_ref, g2_ref, b2_ref,
              w3_ref, g3_ref, b3_ref, o_ref):
    f32 = jnp.float32
    g = g_ref[0]
    g = g - nx_ref[0][:, None, :]
    a = g.reshape(_SBM * _NS, _D)
    dn = (((1,), (1,)), ((), ()))
    h = lax.dot_general(a, w1_ref[...], dn, preferred_element_type=f32)
    h = jnp.maximum(h * g1_ref[...] + b1_ref[...], 0.0)
    h = lax.dot_general(h, w2_ref[...], dn, preferred_element_type=f32)
    h = jnp.maximum(h * g2_ref[...] + b2_ref[...], 0.0)
    h = lax.dot_general(h, w3_ref[...], dn, preferred_element_type=f32)
    h = jnp.maximum(h * g3_ref[...] + b3_ref[...], 0.0)
    p = jnp.max(h.reshape(_SBM, _NS, _COUT), axis=1)
    o_ref[0] = p.T


def _mlp(gath, nxp, w1p, g1, b1, w2, g2, b2, w3, g3, b3):
    full = lambda shape: pl.BlockSpec(shape, lambda b, s: tuple(0 for _ in shape))
    return pl.pallas_call(
        _mlp_body,
        grid=(_B, _S // _SBM),
        in_specs=[
            pl.BlockSpec((1, _SBM, _NS, _D), lambda b, s: (b, s, 0, 0)),
            pl.BlockSpec((1, _SBM, _D), lambda b, s: (b, s, 0)),
            full((64, _D)), full((1, 64)), full((1, 64)),
            full((64, 64)), full((1, 64)), full((1, 64)),
            full((_COUT, 64)), full((1, _COUT)), full((1, _COUT)),
        ],
        out_specs=pl.BlockSpec((1, _COUT, _SBM), lambda b, s: (b, 0, s)),
        out_shape=jax.ShapeDtypeStruct((_B, _COUT, _S), jnp.float32),
    )(gath, nxp, w1p, g1, b1, w2, g2, b2, w3, g3, b3)




def kernel(xyz, features, W1, g1, b1, W2, g2, b2, W3, g3, b3):
    sample_inds, new_xyz = _fps(xyz)

    xyzT = jnp.transpose(xyz, (0, 2, 1))
    plo, phi = _pack_mats()
    idx = _ball(xyzT, new_xyz, plo, phi)

    pad = _D - 3 - _CIN
    table = jnp.concatenate(
        [xyz, features, jnp.zeros((_B, _N, pad), jnp.float32)], axis=-1
    ).reshape(_B * _N, _D)
    gath = _sc_gather(table, idx.reshape(1, _NIDX)).reshape(_B, _S, _NS, _D)

    nxp = jnp.concatenate(
        [new_xyz, jnp.zeros((_B, _S, _D - 3), jnp.float32)], axis=-1
    )
    w1p = jnp.concatenate([W1, jnp.zeros((64, pad), jnp.float32)], axis=-1)
    new_features = _mlp(
        gath, nxp, w1p,
        g1.reshape(1, 64), b1.reshape(1, 64),
        W2, g2.reshape(1, 64), b2.reshape(1, 64),
        W3, g3.reshape(1, _COUT), b3.reshape(1, _COUT),
    )
    return new_xyz, new_features, sample_inds

# --- scband reference (transcript-rebuilt; emitter-appended) ---
"""Pipeline reference for scband-pointnet-samodule-base-53549652247011 (READ-ONLY COPY).

The authoritative reference and input builder live on the scoring server;
editing this copy changes nothing except your own understanding.
"""

import jax, jax.numpy as jnp
import numpy as np

B, N, NPOINT, NSAMPLE = 4, 16384, 1024, 32
RADIUS = 0.5
C_IN = 64
MLP = [C_IN + 3, 64, 64, 128]


def setup_inputs(seed: int = 0):
    key = jax.random.key(seed)
    ks = jax.random.split(key, 8)
    inp = {
        "xyz": jax.random.normal(ks[0], (B, N, 3), dtype=jnp.float32),
        "features": jax.random.normal(ks[1], (B, N, C_IN), dtype=jnp.float32),
    }
    for li in range(3):
        cin, cout = MLP[li], MLP[li + 1]
        inp[f"W{li+1}"] = jax.random.normal(ks[2 + li], (cout, cin), dtype=jnp.float32) * (1.0 / np.sqrt(cin))
        inp[f"g{li+1}"] = jnp.ones((cout,), dtype=jnp.float32)
        inp[f"b{li+1}"] = jnp.zeros((cout,), dtype=jnp.float32)
    return inp


def furthest_point_sample(xyz, npoint):
    # faithful iterative FPS (same algorithm as pointnet2_utils.furthest_point_sample)
    b, n, _ = xyz.shape
    xyz = jax.lax.stop_gradient(xyz)

    def body(i, state):
        dists, idxs, farthest = state
        idxs = idxs.at[:, i].set(farthest)
        centroid = jnp.take_along_axis(xyz, farthest[:, None, None], axis=1)  # (B,1,3)
        d = jnp.sum((xyz - centroid) ** 2, axis=-1)  # (B,N)
        dists = jnp.minimum(dists, d)
        farthest = jnp.argmax(dists, axis=-1).astype(jnp.int32)
        return (dists, idxs, farthest)

    state = (
        jnp.full((b, n), 1e10, dtype=jnp.float32),
        jnp.zeros((b, npoint), dtype=jnp.int32),
        jnp.zeros((b,), dtype=jnp.int32),
    )
    _, idxs, _ = jax.lax.fori_loop(0, npoint, body, state)
    return idxs


def ball_query(radius, nsample, xyz, new_xyz):
    # same semantics as pointnet2 ball_query: first nsample points within radius,
    # padded by repeating the first found index
    b, n, _ = xyz.shape
    xyz_sg = jax.lax.stop_gradient(xyz)
    new_sg = jax.lax.stop_gradient(new_xyz)
    sqr = jnp.sum((new_sg[:, :, None, :] - xyz_sg[:, None, :, :]) ** 2, axis=-1)  # (B,S,N)
    in_ball = sqr <= radius * radius
    cand = jnp.where(in_ball, jnp.arange(n, dtype=jnp.int32)[None, None, :], jnp.int32(n))
    neg_vals, _ = jax.lax.top_k(-cand, nsample)  # smallest in-ball indices first
    idx = (-neg_vals).astype(jnp.int32)
    first = idx[..., :1]
    idx = jnp.where(idx == n, first, idx)
    idx = jnp.where(idx == n, 0, idx)  # empty-ball fallback
    return idx


def _batched_gather(points, idx):
    # points: (B, N, D); idx: (B, ...) -> (B, ..., D)
    return jax.vmap(lambda p, i: p[i])(points, idx)


def _forward(xyz, features, W1, g1, b1, W2, g2, b2, W3, g3, b3):
    sample_inds = furthest_point_sample(xyz, NPOINT)  # (B, S) int32
    new_xyz = _batched_gather(xyz, sample_inds)  # (B, S, 3) == gather_operation(xyz_flipped, inds).T

    # grouper: QueryAndGroup(radius, nsample, use_xyz=True)
    idx = ball_query(RADIUS, NSAMPLE, xyz, new_xyz)  # (B, S, ns)
    grouped_xyz = _batched_gather(xyz, idx) - new_xyz[:, :, None, :]  # (B, S, ns, 3)
    grouped_feat = _batched_gather(features, idx)  # (B, S, ns, C)
    new_features = jnp.concatenate([grouped_xyz, grouped_feat], axis=-1)  # (B, S, ns, 3+C)
    new_features = jnp.transpose(new_features, (0, 3, 1, 2))  # (B, 3+C, S, ns) torch conv2d layout

    # shared MLP: 1x1 conv + BN(eval, running mean 0 / var 1 -> affine) + ReLU
    for (W, g, b) in ((W1, g1, b1), (W2, g2, b2), (W3, g3, b3)):
        new_features = jnp.einsum("oc,bcsn->bosn", W, new_features)
        new_features = new_features * g[None, :, None, None] + b[None, :, None, None]
        new_features = jax.nn.relu(new_features)

    # F.max_pool2d(kernel=[1, nsample]) then squeeze(-1)
    new_features = jnp.max(new_features, axis=3)  # (B, C_out, S)
    return new_xyz, new_features, sample_inds


def reference(xyz, features, W1, g1, b1, W2, g2, b2, W3, g3, b3):
    return _forward(xyz, features, W1, g1, b1, W2, g2, b2, W3, g3, b3)

if __name__ == "__main__":
    import jax
    _d = setup_inputs()
    print(jax.jit(kernel)(*tuple(_d.values())))

</pallas_src>

<mosaic_0001>
#map = affine_map<(d0, d1) -> (0, 0)>
module attributes {stable_mosaic.version = 14 : i64} {
  func.func @gather_kernel(%arg0: i32, %arg1: i32, %arg2: memref<65536x128xf32, #tpu.memory_space<hbm>>, %arg3: memref<1x131072xi32, #tpu.memory_space<hbm>>, %arg4: memref<131072x128xf32, #tpu.memory_space<hbm>>) attributes {dimension_semantics = [#tpu.dimension_semantics<core_parallel>, #tpu.dimension_semantics<subcore_parallel>], iteration_bounds = array<i64: 2, 16>, scalar_prefetch = 0 : i64, scratch_operands = 0 : i64, tpu.core_type = #tpu.core_type<sc_vector_subcore>, window_params = [{transform_indices = #map}, {transform_indices = #map}, {transform_indices = #map}]} {
    %mul3A = arith.constant 1 : i32
    %mul3A_0 = arith.muli %arg1, %mul3A : i32
    %add3A = arith.constant 0 : i32
    %add3A_1 = arith.addi %add3A, %mul3A_0 : i32
    %mul3A_2 = arith.constant 16 : i32
    %mul3A_3 = arith.muli %arg0, %mul3A_2 : i32
    %add3A_4 = arith.addi %add3A_1, %mul3A_3 : i32
    %mul3A_5 = arith.constant 32 : i32
    %mul3A_6 = arith.muli %add3A_4, %mul3A_5 : i32
    "tpu.region"() ({
      %run_scoped3A = memref.alloca() : memref<2x1x128xi32, #tpu.memory_space<vmem>>
      %run_scoped3A_7 = tpu.sem_alloc : memref<2x!tpu.dma_semaphore, #tpu.memory_space<semaphore_mem>>
      %run_scoped3A_8 = memref.alloca() : memref<2x128x128xf32, #tpu.memory_space<vmem>>
      %run_scoped3A_9 = tpu.sem_alloc : memref<2x!tpu.dma_semaphore, #tpu.memory_space<semaphore_mem>>
      %add3A_10 = arith.constant 0 : i32
      %add3A_11 = arith.addi %add3A_10, %mul3A_6 : i32
      %select_n3A = arith.constant true
      %select_n3A_12 = arith.constant 0 : i32
      %select_n3A_13 = arith.constant -1 : i32
      %select_n3A_14 = arith.select %select_n3A, %select_n3A_13, %select_n3A_12 : i32
      %eq3A = arith.constant -1 : i32
      %eq3A_15 = arith.cmpi eq, %select_n3A_14, %eq3A : i32
      %select_n3A_16 = arith.constant 31 : i32
      %select_n3A_17 = arith.select %eq3A_15, %select_n3A_16, %select_n3A_14 : i32
      %add3A_18 = arith.addi %select_n3A_17, %mul3A_6 : i32
      %select_n3A_19 = arith.constant true
      %select_n3A_20 = arith.constant 0 : i32
      %select_n3A_21 = arith.constant 1 : i32
      %select_n3A_22 = arith.select %select_n3A_19, %select_n3A_21, %select_n3A_20 : i32
      %eq3A_23 = arith.constant 32 : i32
      %eq3A_24 = arith.cmpi eq, %select_n3A_22, %eq3A_23 : i32
      %select_n3A_25 = arith.constant 0 : i32
      %select_n3A_26 = arith.select %eq3A_24, %select_n3A_25, %select_n3A_22 : i32
      %add3A_27 = arith.addi %select_n3A_26, %mul3A_6 : i32
      %add3A_28 = arith.constant 1 : i32
      %add3A_29 = arith.addi %select_n3A_26, %add3A_28 : i32
      %select_n3A_30 = arith.constant true
      %select_n3A_31 = arith.select %select_n3A_30, %add3A_29, %select_n3A_26 : i32
      %eq3A_32 = arith.constant 32 : i32
      %eq3A_33 = arith.cmpi eq, %select_n3A_31, %eq3A_32 : i32
      %select_n3A_34 = arith.constant 0 : i32
      %select_n3A_35 = arith.select %eq3A_33, %select_n3A_34, %select_n3A_31 : i32
      %add3A_36 = arith.addi %select_n3A_35, %mul3A_6 : i32
      "tpu.trace_start"() <{level = 10 : i32, message = "ep_initialize_0"}> : () -> ()
      %rem3A = arith.constant 0 : i32
      %rem3A_37 = arith.constant 2 : i32
      %rem3A_38 = arith.remui %rem3A, %rem3A_37 : i32
      %mul3A_39 = arith.constant 128 : i32
      %mul3A_40 = arith.muli %mul3A_39, %add3A_11 : i32
      %dma_start3A = arith.constant 0 : i32
      %dma_start3A_41 = arith.constant 0 : i32
      %dma_start3A_42 = tpu.memref_slice %run_scoped3A[%rem3A_38, %dma_start3A, %dma_start3A_41] : memref<2x1x128xi32, #tpu.memory_space<vmem>> -> memref<1x1x128xi32, #tpu.memory_space<vmem>>
      %dma_start3A_43 = tpu.memref_squeeze %dma_start3A_42 : memref<1x1x128xi32, #tpu.memory_space<vmem>> -> memref<1x128xi32, #tpu.memory_space<vmem>>
      %dma_start3A_44 = arith.constant 0 : i32
      %dma_start3A_45 = tpu.memref_slice %arg3[%dma_start3A_44, %mul3A_40] : memref<1x131072xi32, #tpu.memory_space<hbm>> -> memref<1x128xi32, #tpu.memory_space<hbm>>
      %dma_start3A_46 = tpu.memref_slice %run_scoped3A_7[%rem3A_38] : memref<2x!tpu.dma_semaphore, #tpu.memory_space<semaphore_mem>> -> memref<1x!tpu.dma_semaphore, #tpu.memory_space<semaphore_mem>>
      %dma_start3A_47 = tpu.memref_squeeze %dma_start3A_46 : memref<1x!tpu.dma_semaphore, #tpu.memory_space<semaphore_mem>> -> memref<!tpu.dma_semaphore, #tpu.memory_space<semaphore_mem>>
      %dma_start3A_48 = arith.constant 0 : i32
      %dma_start3A_49 = arith.constant 0 : i32
      %dma_start3A_50 = tpu.memref_slice %run_scoped3A[%rem3A_38, %dma_start3A_48, %dma_start3A_49] : memref<2x1x128xi32, #tpu.memory_space<vmem>> -> memref<1x1x128xi32, #tpu.memory_space<vmem>>
      %dma_start3A_51 = tpu.memref_squeeze %dma_start3A_50 : memref<1x1x128xi32, #tpu.memory_space<vmem>> -> memref<1x128xi32, #tpu.memory_space<vmem>>
      %dma_start3A_52 = arith.constant 0 : i32
      %dma_start3A_53 = tpu.memref_slice %arg3[%dma_start3A_52, %mul3A_40] : memref<1x131072xi32, #tpu.memory_space<hbm>> -> memref<1x128xi32, #tpu.memory_space<hbm>>
      tpu.enqueue_dma source(%dma_start3A_53 : memref<1x128xi32, #tpu.memory_space<hbm>>) target(%dma_start3A_51 : memref<1x128xi32, #tpu.memory_space<vmem>>) target_semaphore(%dma_start3A_47 : memref<!tpu.dma_semaphore, #tpu.memory_space<semaphore_mem>>)
      %add3A_54 = arith.constant 0 : i32
      %add3A_55 = arith.constant 1 : i32
      %add3A_56 = arith.addi %add3A_54, %add3A_55 : i32
      %select_n3A_57 = arith.constant true
      %select_n3A_58 = arith.constant 0 : i32
      %select_n3A_59 = arith.select %select_n3A_57, %add3A_56, %select_n3A_58 : i32
      "tpu.trace_stop"() : () -> ()
      %scan3A = arith.constant 0 : i32
      %scan3A_60 = arith.constant 0 : i32
      %scan3A_61 = arith.constant 0 : i32
      %scan3A_62 = arith.constant 0 : i32
      %scan3A_63 = arith.constant 0 : i32
      %scan3A_64 = arith.constant 32 : i32
      %scan3A_65 = arith.addi %scan3A_63, %scan3A_64 : i32
      %scan3A_66 = arith.constant 1 : i32
      %scan3A_67:5 = scf.for %scan3A_121 = %scan3A_63 to %scan3A_65 step %scan3A_66 iter_args(%scan3A_122 = %select_n3A_59, %scan3A_123 = %scan3A, %scan3A_124 = %scan3A_60, %scan3A_125 = %scan3A_61, %scan3A_126 = %scan3A_62) -> (i32, i32, i32, i32, i32)  : i32 {
        %eq3A_127 = arith.constant 0 : i32
        %eq3A_128 = arith.cmpi eq, %scan3A_121, %eq3A_127 : i32
        %eq3A_129 = arith.constant 31 : i32
        %eq3A_130 = arith.cmpi eq, %scan3A_121, %eq3A_129 : i32
        %add3A_131 = arith.addi %scan3A_126, %mul3A_6 : i32
        %sub3A_132 = arith.constant 1 : i32
        %sub3A_133 = arith.subi %scan3A_126, %sub3A_132 : i32
        %select_n3A_134 = arith.constant true
        %select_n3A_135 = arith.select %select_n3A_134, %sub3A_133, %scan3A_126 : i32
        %eq3A_136 = arith.constant -1 : i32
        %eq3A_137 = arith.cmpi eq, %select_n3A_135, %eq3A_136 : i32
        %select_n3A_138 = arith.constant 31 : i32
        %select_n3A_139 = arith.select %eq3A_137, %select_n3A_138, %select_n3A_135 : i32
        %add3A_140 = arith.addi %select_n3A_139, %mul3A_6 : i32
        %add3A_141 = arith.constant 1 : i32
        %add3A_142 = arith.addi %scan3A_126, %add3A_141 : i32
        %select_n3A_143 = arith.constant true
        %select_n3A_144 = arith.select %select_n3A_143, %add3A_142, %scan3A_126 : i32
        %eq3A_145 = arith.constant 32 : i32
        %eq3A_146 = arith.cmpi eq, %select_n3A_144, %eq3A_145 : i32
        %select_n3A_147 = arith.constant 0 : i32
        %select_n3A_148 = arith.select %eq3A_146, %select_n3A_147, %select_n3A_144 : i32
        %add3A_149 = arith.addi %select_n3A_148, %mul3A_6 : i32
        %add3A_150 = arith.constant 1 : i32
        %add3A_151 = arith.addi %select_n3A_148, %add3A_150 : i32
        %select_n3A_152 = arith.constant true
        %select_n3A_153 = arith.select %select_n3A_152, %add3A_151, %select_n3A_148 : i32
        %eq3A_154 = arith.constant 32 : i32
        %eq3A_155 = arith.cmpi eq, %select_n3A_153, %eq3A_154 : i32
        %select_n3A_156 = arith.constant 0 : i32
        %select_n3A_157 = arith.select %eq3A_155, %select_n3A_156, %select_n3A_153 : i32
        %add3A_158 = arith.addi %select_n3A_157, %mul3A_6 : i32
        %ne3A = arith.cmpi ne, %add3A_131, %add3A_149 : i32
        %or3A = arith.constant false
        %or3A_159 = arith.ori %or3A, %ne3A : i1
        %ge3A = arith.constant 31 : i32
        %ge3A_160 = arith.cmpi sge, %scan3A_121, %ge3A : i32
        %not3A = arith.constant true
        %not3A_161 = arith.xori %ge3A_160, %not3A : i1
        %and3A = arith.andi %or3A_159, %not3A_161 : i1
        %convert_element_type3A = arith.extui %and3A : i1 to i32
        %cond3A = arith.constant 0 : i32
        %cond3A_162 = arith.cmpi ne, %convert_element_type3A, %cond3A : i32
        scf.if %cond3A_162 {
          "tpu.trace_start"() <{level = 10 : i32, message = "ep_copy_in"}> : () -> ()
          %rem3A_264 = arith.constant 2 : i32
          %rem3A_265 = arith.remui %scan3A_122, %rem3A_264 : i32
          %mul3A_266 = arith.constant 128 : i32
          %mul3A_267 = arith.muli %mul3A_266, %add3A_149 : i32
          %dma_start3A_268 = arith.constant 0 : i32
          %dma_start3A_269 = arith.constant 0 : i32
          %dma_start3A_270 = tpu.memref_slice %run_scoped3A[%rem3A_265, %dma_start3A_268, %dma_start3A_269] : memref<2x1x128xi32, #tpu.memory_space<vmem>> -> memref<1x1x128xi32, #tpu.memory_space<vmem>>
          %dma_start3A_271 = tpu.memref_squeeze %dma_start3A_270 : memref<1x1x128xi32, #tpu.memory_space<vmem>> -> memref<1x128xi32, #tpu.memory_space<vmem>>
          %dma_start3A_272 = arith.constant 0 : i32
          %dma_start3A_273 = tpu.memref_slice %arg3[%dma_start3A_272, %mul3A_267] : memref<1x131072xi32, #tpu.memory_space<hbm>> -> memref<1x128xi32, #tpu.memory_space<hbm>>
          %dma_start3A_274 = tpu.memref_slice %run_scoped3A_7[%rem3A_265] : memref<2x!tpu.dma_semaphore, #tpu.memory_space<semaphore_mem>> -> memref<1x!tpu.dma_semaphore, #tpu.memory_space<semaphore_mem>>
          %dma_start3A_275 = tpu.memref_squeeze %dma_start3A_274 : memref<1x!tpu.dma_semaphore, #tpu.memory_space<semaphore_mem>> -> memref<!tpu.dma_semaphore, #tpu.memory_space<semaphore_mem>>
          %dma_start3A_276 = arith.constant 0 : i32
          %dma_start3A_277 = arith.constant 0 : i32
          %dma_start3A_278 = tpu.memref_slice %run_scoped3A[%rem3A_265, %dma_start3A_276, %dma_start3A_277] : memref<2x1x128xi32, #tpu.memory_space<vmem>> -> memref<1x1x128xi32, #tpu.memory_space<vmem>>
          %dma_start3A_279 = tpu.memref_squeeze %dma_start3A_278 : memref<1x1x128xi32, #tpu.memory_space<vmem>> -> memref<1x128xi32, #tpu.memory_space<vmem>>
          %dma_start3A_280 = arith.constant 0 : i32
          %dma_start3A_281 = tpu.memref_slice %arg3[%dma_start3A_280, %mul3A_267] : memref<1x131072xi32, #tpu.memory_space<hbm>> -> memref<1x128xi32, #tpu.memory_space<hbm>>
          tpu.enqueue_dma source(%dma_start3A_281 : memref<1x128xi32, #tpu.memory_space<hbm>>) target(%dma_start3A_279 : memref<1x128xi32, #tpu.memory_space<vmem>>) target_semaphore(%dma_start3A_275 : memref<!tpu.dma_semaphore, #tpu.memory_space<semaphore_mem>>)
          "tpu.trace_stop"() : () -> ()
        } else {
        }
        %and3A_163 = arith.constant true
        %and3A_164 = arith.andi %and3A, %and3A_163 : i1
        %add3A_165 = arith.constant 1 : i32
        %add3A_166 = arith.addi %scan3A_122, %add3A_165 : i32
        %select_n3A_167 = arith.select %and3A_164, %add3A_166, %scan3A_122 : i32
        %ne3A_168 = arith.cmpi ne, %add3A_131, %add3A_149 : i32
        %or3A_169 = arith.constant false
        %or3A_170 = arith.ori %or3A_169, %ne3A_168 : i1
        %or3A_171 = arith.constant false
        %or3A_172 = arith.ori %or3A_170, %or3A_171 : i1
        %ge3A_173 = arith.constant 31 : i32
        %ge3A_174 = arith.cmpi sge, %scan3A_121, %ge3A_173 : i32
        %not3A_175 = arith.constant true
        %not3A_176 = arith.xori %ge3A_174, %not3A_175 : i1
        %and3A_177 = arith.andi %or3A_172, %not3A_176 : i1
        %ne3A_178 = arith.cmpi ne, %add3A_131, %add3A_140 : i32
        %or3A_179 = arith.constant false
        %or3A_180 = arith.ori %or3A_179, %ne3A_178 : i1
        %or3A_181 = arith.ori %or3A_180, %eq3A_128 : i1
        %convert_element_type3A_182 = arith.extui %or3A_181 : i1 to i32
        %cond3A_183 = arith.constant 0 : i32
        %cond3A_184 = arith.cmpi ne, %convert_element_type3A_182, %cond3A_183 : i32
        scf.if %cond3A_184 {
          "tpu.trace_start"() <{level = 10 : i32, message = "ep_wait_in"}> : () -> ()
          %mul3A_264 = arith.constant 128 : i32
          %mul3A_265 = arith.muli %mul3A_264, %add3A_131 : i32
          %rem3A_266 = arith.constant 2 : i32
          %rem3A_267 = arith.remui %scan3A_123, %rem3A_266 : i32
          %dma_wait3A_268 = arith.constant 0 : i32
          %dma_wait3A_269 = arith.constant 0 : i32
          %dma_wait3A_270 = tpu.memref_slice %run_scoped3A[%rem3A_267, %dma_wait3A_268, %dma_wait3A_269] : memref<2x1x128xi32, #tpu.memory_space<vmem>> -> memref<1x1x128xi32, #tpu.memory_space<vmem>>
          %dma_wait3A_271 = tpu.memref_squeeze %dma_wait3A_270 : memref<1x1x128xi32, #tpu.memory_space<vmem>> -> memref<1x128xi32, #tpu.memory_space<vmem>>
          %dma_wait3A_272 = arith.constant 0 : i32
          %dma_wait3A_273 = tpu.memref_slice %arg3[%dma_wait3A_272, %mul3A_265] : memref<1x131072xi32, #tpu.memory_space<hbm>> -> memref<1x128xi32, #tpu.memory_space<hbm>>
          %dma_wait3A_274 = tpu.memref_slice %run_scoped3A_7[%rem3A_267] : memref<2x!tpu.dma_semaphore, #tpu.memory_space<semaphore_mem>> -> memref<1x!tpu.dma_semaphore, #tpu.memory_space<semaphore_mem>>
          %dma_wait3A_275 = tpu.memref_squeeze %dma_wait3A_274 : memref<1x!tpu.dma_semaphore, #tpu.memory_space<semaphore_mem>> -> memref<!tpu.dma_semaphore, #tpu.memory_space<semaphore_mem>>
          %dma_wait3A_276 = arith.constant 0 : i32
          %dma_wait3A_277 = arith.constant 0 : i32
          %dma_wait3A_278 = tpu.memref_slice %run_scoped3A[%rem3A_267, %dma_wait3A_276, %dma_wait3A_277] : memref<2x1x128xi32, #tpu.memory_space<vmem>> -> memref<1x1x128xi32, #tpu.memory_space<vmem>>
          %dma_wait3A_279 = tpu.memref_squeeze %dma_wait3A_278 : memref<1x1x128xi32, #tpu.memory_space<vmem>> -> memref<1x128xi32, #tpu.memory_space<vmem>>
          %dma_wait3A_280 = arith.constant 0 : i32
          %dma_wait3A_281 = tpu.memref_slice %arg3[%dma_wait3A_280, %mul3A_265] : memref<1x131072xi32, #tpu.memory_space<hbm>> -> memref<1x128xi32, #tpu.memory_space<hbm>>
          tpu.wait_dma2 semaphore(%dma_wait3A_275 : memref<!tpu.dma_semaphore, #tpu.memory_space<semaphore_mem>>) src(%dma_wait3A_281 : memref<1x128xi32, #tpu.memory_space<hbm>>) dst(%dma_wait3A_279 : memref<1x128xi32, #tpu.memory_space<vmem>>)
          "tpu.trace_stop"() : () -> ()
        } else {
        }
        %ne3A_185 = arith.cmpi ne, %add3A_131, %add3A_140 : i32
        %or3A_186 = arith.constant false
        %or3A_187 = arith.ori %or3A_186, %ne3A_185 : i1
        %or3A_188 = arith.constant false
        %or3A_189 = arith.ori %or3A_187, %or3A_188 : i1
        %or3A_190 = arith.ori %or3A_189, %eq3A_128 : i1
        %convert_element_type3A_191 = arith.extui %or3A_190 : i1 to i32
        %cond3A_192 = arith.constant 0 : i32
        %cond3A_193 = arith.cmpi ne, %convert_element_type3A_191, %cond3A_192 : i32
        scf.if %cond3A_193 {
        } else {
        }
        %rem3A_194 = arith.constant 2 : i32
        %rem3A_195 = arith.remui %scan3A_123, %rem3A_194 : i32
        %rem3A_196 = arith.constant 2 : i32
        %rem3A_197 = arith.remui %scan3A_124, %rem3A_196 : i32
        %run_scoped3A_198 = arith.constant 0 : i32
        "tpu.trace_start"() <{level = 10 : i32, message = "ep_run_kernel"}> : () -> ()
        "tpu.region"() ({
          %run_scoped3A_264 = tpu.sem_alloc : memref<!tpu.dma_semaphore, #tpu.memory_space<semaphore_mem>>
          %dma_start3A_265 = arith.constant 0 : i32
          %dma_start3A_266 = arith.constant 0 : i32
          %dma_start3A_267 = tpu.memref_slice %run_scoped3A_8[%rem3A_197, %dma_start3A_265, %dma_start3A_266] : memref<2x128x128xf32, #tpu.memory_space<vmem>> -> memref<1x128x128xf32, #tpu.memory_space<vmem>>
          %dma_start3A_268 = tpu.memref_squeeze %dma_start3A_267 : memref<1x128x128xf32, #tpu.memory_space<vmem>> -> memref<128x128xf32, #tpu.memory_space<vmem>>
          %dma_start3A_269 = arith.constant 0 : i32
          %dma_start3A_270 = arith.constant 0 : i32
          %dma_start3A_271 = tpu.memref_slice %run_scoped3A[%rem3A_195, %dma_start3A_269, %dma_start3A_270] : memref<2x1x128xi32, #tpu.memory_space<vmem>> -> memref<1x1x128xi32, #tpu.memory_space<vmem>>
          %dma_start3A_272 = tpu.memref_squeeze %dma_start3A_271 : memref<1x1x128xi32, #tpu.memory_space<vmem>> -> memref<1x128xi32, #tpu.memory_space<vmem>>
          %dma_start3A_273 = arith.constant 0 : i32
          %dma_start3A_274 = tpu.memref_slice %dma_start3A_272[%run_scoped3A_198, %dma_start3A_273] : memref<1x128xi32, #tpu.memory_space<vmem>> -> memref<1x128xi32, #tpu.memory_space<vmem>>
          %dma_start3A_275 = tpu.memref_squeeze %dma_start3A_274 : memref<1x128xi32, #tpu.memory_space<vmem>> -> memref<128xi32, #tpu.memory_space<vmem>>
          %dma_start3A_276 = arith.constant 0 : i32
          %dma_start3A_277 = arith.constant 0 : i32
          %dma_start3A_278 = tpu.memref_slice %arg2[%dma_start3A_276, %dma_start3A_277] : memref<65536x128xf32, #tpu.memory_space<hbm>> -> memref<65536x128xf32, #tpu.memory_space<hbm>>
          tpu.enqueue_indirect_dma source(%dma_start3A_278 : memref<65536x128xf32, #tpu.memory_space<hbm>>) target(%dma_start3A_268 : memref<128x128xf32, #tpu.memory_space<vmem>>) offsets(%dma_start3A_275 : memref<128xi32, #tpu.memory_space<vmem>>) semaphore(%run_scoped3A_264 : memref<!tpu.dma_semaphore, #tpu.memory_space<semaphore_mem>>)
          %dma_wait3A_279 = arith.constant 0 : i32
          %dma_wait3A_280 = arith.constant 0 : i32
          %dma_wait3A_281 = tpu.memref_slice %run_scoped3A_8[%rem3A_197, %dma_wait3A_279, %dma_wait3A_280] : memref<2x128x128xf32, #tpu.memory_space<vmem>> -> memref<1x128x128xf32, #tpu.memory_space<vmem>>
          %dma_wait3A_282 = tpu.memref_squeeze %dma_wait3A_281 : memref<1x128x128xf32, #tpu.memory_space<vmem>> -> memref<128x128xf32, #tpu.memory_space<vmem>>
          %dma_wait3A_283 = arith.constant 0 : i32
          %dma_wait3A_284 = arith.constant 0 : i32
          %dma_wait3A_285 = tpu.memref_slice %run_scoped3A[%rem3A_195, %dma_wait3A_283, %dma_wait3A_284] : memref<2x1x128xi32, #tpu.memory_space<vmem>> -> memref<1x1x128xi32, #tpu.memory_space<vmem>>
          %dma_wait3A_286 = tpu.memref_squeeze %dma_wait3A_285 : memref<1x1x128xi32, #tpu.memory_space<vmem>> -> memref<1x128xi32, #tpu.memory_space<vmem>>
          %dma_wait3A_287 = arith.constant 0 : i32
          %dma_wait3A_288 = tpu.memref_slice %dma_wait3A_286[%run_scoped3A_198, %dma_wait3A_287] : memref<1x128xi32, #tpu.memory_space<vmem>> -> memref<1x128xi32, #tpu.memory_space<vmem>>
          %dma_wait3A_289 = tpu.memref_squeeze %dma_wait3A_288 : memref<1x128xi32, #tpu.memory_space<vmem>> -> memref<128xi32, #tpu.memory_space<vmem>>
          %dma_wait3A_290 = arith.constant 0 : i32
          %dma_wait3A_291 = arith.constant 0 : i32
          %dma_wait3A_292 = tpu.memref_slice %arg2[%dma_wait3A_290, %dma_wait3A_291] : memref<65536x128xf32, #tpu.memory_space<hbm>> -> memref<65536x128xf32, #tpu.memory_space<hbm>>
          tpu.wait_indirect_dma semaphore(%run_scoped3A_264 : memref<!tpu.dma_semaphore, #tpu.memory_space<semaphore_mem>>) src(%dma_wait3A_292 : memref<65536x128xf32, #tpu.memory_space<hbm>>) dst(%dma_wait3A_282 : memref<128x128xf32, #tpu.memory_space<vmem>>)
          tpu.yield
        }) : () -> ()
        "tpu.trace_stop"() : () -> ()
        %ne3A_199 = arith.cmpi ne, %add3A_131, %add3A_149 : i32
        %or3A_200 = arith.constant false
        %or3A_201 = arith.ori %or3A_200, %ne3A_199 : i1
        %or3A_202 = arith.ori %or3A_201, %eq3A_130 : i1
        %convert_element_type3A_203 = arith.extui %or3A_202 : i1 to i32
        %cond3A_204 = arith.constant 0 : i32
        %cond3A_205 = arith.cmpi ne, %convert_element_type3A_203, %cond3A_204 : i32
        scf.if %cond3A_205 {
        } else {
        }
        %and3A_206 = arith.constant false
        %and3A_207 = arith.andi %or3A_202, %and3A_206 : i1
        %ne3A_208 = arith.cmpi ne, %add3A_131, %add3A_149 : i32
        %or3A_209 = arith.constant false
        %or3A_210 = arith.ori %or3A_209, %ne3A_208 : i1
        %or3A_211 = arith.constant false
        %or3A_212 = arith.ori %or3A_210, %or3A_211 : i1
        %or3A_213 = arith.ori %or3A_212, %eq3A_130 : i1
        %convert_element_type3A_214 = arith.extui %or3A_213 : i1 to i32
        %cond3A_215 = arith.constant 0 : i32
        %cond3A_216 = arith.cmpi ne, %convert_element_type3A_214, %cond3A_215 : i32
        scf.if %cond3A_216 {
          "tpu.trace_start"() <{level = 10 : i32, message = "ep_copy_out"}> : () -> ()
          %rem3A_264 = arith.constant 2 : i32
          %rem3A_265 = arith.remui %scan3A_124, %rem3A_264 : i32
          %mul3A_266 = arith.constant 128 : i32
          %mul3A_267 = arith.muli %mul3A_266, %add3A_131 : i32
          %dma_start3A_268 = arith.constant 0 : i32
          %dma_start3A_269 = arith.constant 0 : i32
          %dma_start3A_270 = tpu.memref_slice %run_scoped3A_8[%rem3A_265, %dma_start3A_268, %dma_start3A_269] : memref<2x128x128xf32, #tpu.memory_space<vmem>> -> memref<1x128x128xf32, #tpu.memory_space<vmem>>
          %dma_start3A_271 = tpu.memref_squeeze %dma_start3A_270 : memref<1x128x128xf32, #tpu.memory_space<vmem>> -> memref<128x128xf32, #tpu.memory_space<vmem>>
          %dma_start3A_272 = arith.constant 0 : i32
          %dma_start3A_273 = tpu.memref_slice %arg4[%mul3A_267, %dma_start3A_272] : memref<131072x128xf32, #tpu.memory_space<hbm>> -> memref<128x128xf32, #tpu.memory_space<hbm>>
          %dma_start3A_274 = tpu.memref_slice %run_scoped3A_9[%rem3A_265] : memref<2x!tpu.dma_semaphore, #tpu.memory_space<semaphore_mem>> -> memref<1x!tpu.dma_semaphore, #tpu.memory_space<semaphore_mem>>
          %dma_start3A_275 = tpu.memref_squeeze %dma_start3A_274 : memref<1x!tpu.dma_semaphore, #tpu.memory_space<semaphore_mem>> -> memref<!tpu.dma_semaphore, #tpu.memory_space<semaphore_mem>>
          %dma_start3A_276 = arith.constant 0 : i32
          %dma_start3A_277 = tpu.memref_slice %arg4[%mul3A_267, %dma_start3A_276] : memref<131072x128xf32, #tpu.memory_space<hbm>> -> memref<128x128xf32, #tpu.memory_space<hbm>>
          %dma_start3A_278 = arith.constant 0 : i32
          %dma_start3A_279 = arith.constant 0 : i32
          %dma_start3A_280 = tpu.memref_slice %run_scoped3A_8[%rem3A_265, %dma_start3A_278, %dma_start3A_279] : memref<2x128x128xf32, #tpu.memory_space<vmem>> -> memref<1x128x128xf32, #tpu.memory_space<vmem>>
          %dma_start3A_281 = tpu.memref_squeeze %dma_start3A_280 : memref<1x128x128xf32, #tpu.memory_space<vmem>> -> memref<128x128xf32, #tpu.memory_space<vmem>>
          tpu.enqueue_dma source(%dma_start3A_281 : memref<128x128xf32, #tpu.memory_space<vmem>>) target(%dma_start3A_277 : memref<128x128xf32, #tpu.memory_space<hbm>>) target_semaphore(%dma_start3A_275 : memref<!tpu.dma_semaphore, #tpu.memory_space<semaphore_mem>>)
          "tpu.trace_stop"() : () -> ()
        } else {
        }
        %and3A_217 = arith.constant true
        %and3A_218 = arith.andi %or3A_213, %and3A_217 : i1
        %add3A_219 = arith.constant 1 : i32
        %add3A_220 = arith.addi %scan3A_124, %add3A_219 : i32
        %select_n3A_221 = arith.select %and3A_218, %add3A_220, %scan3A_124 : i32
        %ne3A_222 = arith.cmpi ne, %add3A_131, %add3A_140 : i32
        %or3A_223 = arith.constant false
        %or3A_224 = arith.ori %or3A_223, %ne3A_222 : i1
        %not3A_225 = arith.constant true
        %not3A_226 = arith.xori %eq3A_128, %not3A_225 : i1
        %and3A_227 = arith.andi %or3A_224, %not3A_226 : i1
        %convert_element_type3A_228 = arith.extui %and3A_227 : i1 to i32
        %cond3A_229 = arith.constant 0 : i32
        %cond3A_230 = arith.cmpi ne, %convert_element_type3A_228, %cond3A_229 : i32
        scf.if %cond3A_230 {
        } else {
        }
        %and3A_231 = arith.constant false
        %and3A_232 = arith.andi %and3A_227, %and3A_231 : i1
        %ne3A_233 = arith.cmpi ne, %add3A_131, %add3A_140 : i32
        %or3A_234 = arith.constant false
        %or3A_235 = arith.ori %or3A_234, %ne3A_233 : i1
        %or3A_236 = arith.constant false
        %or3A_237 = arith.ori %or3A_235, %or3A_236 : i1
        %not3A_238 = arith.constant true
        %not3A_239 = arith.xori %eq3A_128, %not3A_238 : i1
        %and3A_240 = arith.andi %or3A_237, %not3A_239 : i1
        %convert_element_type3A_241 = arith.extui %and3A_240 : i1 to i32
        %cond3A_242 = arith.constant 0 : i32
        %cond3A_243 = arith.cmpi ne, %convert_element_type3A_241, %cond3A_242 : i32
        scf.if %cond3A_243 {
          "tpu.trace_start"() <{level = 10 : i32, message = "ep_wait_out"}> : () -> ()
          %rem3A_264 = arith.constant 2 : i32
          %rem3A_265 = arith.remui %scan3A_125, %rem3A_264 : i32
          %mul3A_266 = arith.constant 128 : i32
          %mul3A_267 = arith.muli %mul3A_266, %add3A_140 : i32
          %dma_wait3A_268 = arith.constant 0 : i32
          %dma_wait3A_269 = arith.constant 0 : i32
          %dma_wait3A_270 = tpu.memref_slice %run_scoped3A_8[%rem3A_265, %dma_wait3A_268, %dma_wait3A_269] : memref<2x128x128xf32, #tpu.memory_space<vmem>> -> memref<1x128x128xf32, #tpu.memory_space<vmem>>
          %dma_wait3A_271 = tpu.memref_squeeze %dma_wait3A_270 : memref<1x128x128xf32, #tpu.memory_space<vmem>> -> memref<128x128xf32, #tpu.memory_space<vmem>>
          %dma_wait3A_272 = arith.constant 0 : i32
          %dma_wait3A_273 = tpu.memref_slice %arg4[%mul3A_267, %dma_wait3A_272] : memref<131072x128xf32, #tpu.memory_space<hbm>> -> memref<128x128xf32, #tpu.memory_space<hbm>>
          %dma_wait3A_274 = tpu.memref_slice %run_scoped3A_9[%rem3A_265] : memref<2x!tpu.dma_semaphore, #tpu.memory_space<semaphore_mem>> -> memref<1x!tpu.dma_semaphore, #tpu.memory_space<semaphore_mem>>
          %dma_wait3A_275 = tpu.memref_squeeze %dma_wait3A_274 : memref<1x!tpu.dma_semaphore, #tpu.memory_space<semaphore_mem>> -> memref<!tpu.dma_semaphore, #tpu.memory_space<semaphore_mem>>
          %dma_wait3A_276 = arith.constant 0 : i32
          %dma_wait3A_277 = tpu.memref_slice %arg4[%mul3A_267, %dma_wait3A_276] : memref<131072x128xf32, #tpu.memory_space<hbm>> -> memref<128x128xf32, #tpu.memory_space<hbm>>
          %dma_wait3A_278 = arith.constant 0 : i32
          %dma_wait3A_279 = arith.constant 0 : i32
          %dma_wait3A_280 = tpu.memref_slice %run_scoped3A_8[%rem3A_265, %dma_wait3A_278, %dma_wait3A_279] : memref<2x128x128xf32, #tpu.memory_space<vmem>> -> memref<1x128x128xf32, #tpu.memory_space<vmem>>
          %dma_wait3A_281 = tpu.memref_squeeze %dma_wait3A_280 : memref<1x128x128xf32, #tpu.memory_space<vmem>> -> memref<128x128xf32, #tpu.memory_space<vmem>>
          tpu.wait_dma2 semaphore(%dma_wait3A_275 : memref<!tpu.dma_semaphore, #tpu.memory_space<semaphore_mem>>) src(%dma_wait3A_281 : memref<128x128xf32, #tpu.memory_space<vmem>>) dst(%dma_wait3A_277 : memref<128x128xf32, #tpu.memory_space<hbm>>)
          "tpu.trace_stop"() : () -> ()
        } else {
        }
        %and3A_244 = arith.constant true
        %and3A_245 = arith.andi %and3A_240, %and3A_244 : i1
        %add3A_246 = arith.constant 1 : i32
        %add3A_247 = arith.addi %scan3A_125, %add3A_246 : i32
        %select_n3A_248 = arith.select %and3A_245, %add3A_247, %scan3A_125 : i32
        %ne3A_249 = arith.cmpi ne, %add3A_131, %add3A_149 : i32
        %or3A_250 = arith.constant false
        %or3A_251 = arith.ori %or3A_250, %ne3A_249 : i1
        %or3A_252 = arith.ori %or3A_251, %eq3A_130 : i1
        %add3A_253 = arith.constant 1 : i32
        %add3A_254 = arith.addi %scan3A_123, %add3A_253 : i32
        %select_n3A_255 = arith.select %or3A_252, %add3A_254, %scan3A_123 : i32
        %add3A_256 = arith.constant 1 : i32
        %add3A_257 = arith.addi %scan3A_126, %add3A_256 : i32
        %select_n3A_258 = arith.constant true
        %select_n3A_259 = arith.select %select_n3A_258, %add3A_257, %scan3A_126 : i32
        %eq3A_260 = arith.constant 32 : i32
        %eq3A_261 = arith.cmpi eq, %select_n3A_259, %eq3A_260 : i32
        %select_n3A_262 = arith.constant 0 : i32
        %select_n3A_263 = arith.select %eq3A_261, %select_n3A_262, %select_n3A_259 : i32
        scf.yield %select_n3A_167, %select_n3A_255, %select_n3A_221, %select_n3A_248, %select_n3A_263 : i32, i32, i32, i32, i32
      }
      %scan3A_68 = arith.constant 32 : i32
      %sub3A = arith.constant 1 : i32
      %sub3A_69 = arith.subi %scan3A_67#4, %sub3A : i32
      %select_n3A_70 = arith.constant true
      %select_n3A_71 = arith.select %select_n3A_70, %sub3A_69, %scan3A_67#4 : i32
      %eq3A_72 = arith.constant -1 : i32
      %eq3A_73 = arith.cmpi eq, %select_n3A_71, %eq3A_72 : i32
      %select_n3A_74 = arith.constant 31 : i32
      %select_n3A_75 = arith.select %eq3A_73, %select_n3A_74, %select_n3A_71 : i32
      %add3A_76 = arith.addi %select_n3A_75, %mul3A_6 : i32
      %sub3A_77 = arith.constant 1 : i32
      %sub3A_78 = arith.subi %select_n3A_75, %sub3A_77 : i32
      %select_n3A_79 = arith.constant true
      %select_n3A_80 = arith.select %select_n3A_79, %sub3A_78, %select_n3A_75 : i32
      %eq3A_81 = arith.constant -1 : i32
      %eq3A_82 = arith.cmpi eq, %select_n3A_80, %eq3A_81 : i32
      %select_n3A_83 = arith.constant 31 : i32
      %select_n3A_84 = arith.select %eq3A_82, %select_n3A_83, %select_n3A_80 : i32
      %add3A_85 = arith.addi %select_n3A_84, %mul3A_6 : i32
      %add3A_86 = arith.constant 1 : i32
      %add3A_87 = arith.addi %select_n3A_75, %add3A_86 : i32
      %select_n3A_88 = arith.constant true
      %select_n3A_89 = arith.select %select_n3A_88, %add3A_87, %select_n3A_75 : i32
      %eq3A_90 = arith.constant 32 : i32
      %eq3A_91 = arith.cmpi eq, %select_n3A_89, %eq3A_90 : i32
      %select_n3A_92 = arith.constant 0 : i32
      %select_n3A_93 = arith.select %eq3A_91, %select_n3A_92, %select_n3A_89 : i32
      %add3A_94 = arith.addi %select_n3A_93, %mul3A_6 : i32
      %add3A_95 = arith.constant 1 : i32
      %add3A_96 = arith.addi %select_n3A_93, %add3A_95 : i32
      %select_n3A_97 = arith.constant true
      %select_n3A_98 = arith.select %select_n3A_97, %add3A_96, %select_n3A_93 : i32
      %eq3A_99 = arith.constant 32 : i32
      %eq3A_100 = arith.cmpi eq, %select_n3A_98, %eq3A_99 : i32
      %select_n3A_101 = arith.constant 0 : i32
      %select_n3A_102 = arith.select %eq3A_100, %select_n3A_101, %select_n3A_98 : i32
      %add3A_103 = arith.addi %select_n3A_102, %mul3A_6 : i32
      "tpu.trace_start"() <{level = 10 : i32, message = "ep_finalize"}> : () -> ()
      %rem3A_104 = arith.constant 2 : i32
      %rem3A_105 = arith.remui %scan3A_67#3, %rem3A_104 : i32
      %mul3A_106 = arith.constant 128 : i32
      %mul3A_107 = arith.muli %mul3A_106, %add3A_76 : i32
      %dma_wait3A = arith.constant 0 : i32
      %dma_wait3A_108 = arith.constant 0 : i32
      %dma_wait3A_109 = tpu.memref_slice %run_scoped3A_8[%rem3A_105, %dma_wait3A, %dma_wait3A_108] : memref<2x128x128xf32, #tpu.memory_space<vmem>> -> memref<1x128x128xf32, #tpu.memory_space<vmem>>
      %dma_wait3A_110 = tpu.memref_squeeze %dma_wait3A_109 : memref<1x128x128xf32, #tpu.memory_space<vmem>> -> memref<128x128xf32, #tpu.memory_space<vmem>>
      %dma_wait3A_111 = arith.constant 0 : i32
      %dma_wait3A_112 = tpu.memref_slice %arg4[%mul3A_107, %dma_wait3A_111] : memref<131072x128xf32, #tpu.memory_space<hbm>> -> memref<128x128xf32, #tpu.memory_space<hbm>>
      %dma_wait3A_113 = tpu.memref_slice %run_scoped3A_9[%rem3A_105] : memref<2x!tpu.dma_semaphore, #tpu.memory_space<semaphore_mem>> -> memref<1x!tpu.dma_semaphore, #tpu.memory_space<semaphore_mem>>
      %dma_wait3A_114 = tpu.memref_squeeze %dma_wait3A_113 : memref<1x!tpu.dma_semaphore, #tpu.memory_space<semaphore_mem>> -> memref<!tpu.dma_semaphore, #tpu.memory_space<semaphore_mem>>
      %dma_wait3A_115 = arith.constant 0 : i32
      %dma_wait3A_116 = tpu.memref_slice %arg4[%mul3A_107, %dma_wait3A_115] : memref<131072x128xf32, #tpu.memory_space<hbm>> -> memref<128x128xf32, #tpu.memory_space<hbm>>
      %dma_wait3A_117 = arith.constant 0 : i32
      %dma_wait3A_118 = arith.constant 0 : i32
      %dma_wait3A_119 = tpu.memref_slice %run_scoped3A_8[%rem3A_105, %dma_wait3A_117, %dma_wait3A_118] : memref<2x128x128xf32, #tpu.memory_space<vmem>> -> memref<1x128x128xf32, #tpu.memory_space<vmem>>
      %dma_wait3A_120 = tpu.memref_squeeze %dma_wait3A_119 : memref<1x128x128xf32, #tpu.memory_space<vmem>> -> memref<128x128xf32, #tpu.memory_space<vmem>>
      tpu.wait_dma2 semaphore(%dma_wait3A_114 : memref<!tpu.dma_semaphore, #tpu.memory_space<semaphore_mem>>) src(%dma_wait3A_120 : memref<128x128xf32, #tpu.memory_space<vmem>>) dst(%dma_wait3A_116 : memref<128x128xf32, #tpu.memory_space<hbm>>)
      "tpu.trace_stop"() : () -> ()
      tpu.yield
    }) : () -> ()
    return
  }
}

module attributes {stable_mosaic.version = 14 : i64} {
  func.func @_fps_body(%arg0: memref<4x8x2048xf32, #tpu.memory_space<vmem>>, %arg1: memref<4x8x2048xf32, #tpu.memory_space<vmem>>, %arg2: memref<4x8x2048xf32, #tpu.memory_space<vmem>>, %arg3: memref<4x1024x1xi32, #tpu.memory_space<vmem>>, %arg4: memref<4x1024x3xf32, #tpu.memory_space<vmem>>, %arg5: memref<4x8x2048xf32, #tpu.memory_space<vmem>>) attributes {dimension_semantics = [], scalar_prefetch = 0 : i64, scratch_operands = 1 : i64, tpu.core_type = #tpu.core_type<tc>} {
    %iota3A = tpu.iota {dimensions = array<i32: 1>} : vector<4x8x2048xi32>
    %mul3A = arith.constant 2048 : i32
    %mul3A_0 = vector.broadcast %mul3A : i32 to vector<4x8x2048xi32>
    %mul3A_1 = arith.muli %iota3A, %mul3A_0 : vector<4x8x2048xi32>
    %iota3A_2 = tpu.iota {dimensions = array<i32: 2>} : vector<4x8x2048xi32>
    %add3A = arith.addi %mul3A_1, %iota3A_2 : vector<4x8x2048xi32>
    %convert_element_type3A = arith.sitofp %add3A : vector<4x8x2048xi32> to vector<4x8x2048xf32>
    %broadcast_in_dim3A = arith.constant 1.000000e+10 : f32
    %broadcast_in_dim3A_3 = vector.broadcast %broadcast_in_dim3A : f32 to vector<4x8x2048xf32>
    %swap3A = arith.constant 0 : index
    %swap3A_4 = arith.constant 0 : index
    %swap3A_5 = arith.constant 0 : index
    %swap3A_6 = vector.load %arg5[%swap3A, %swap3A_4, %swap3A_5] : memref<4x8x2048xf32, #tpu.memory_space<vmem>>, vector<4x8x2048xf32>
    tpu.vector_store %arg5[%swap3A, %swap3A_4, %swap3A_5], %broadcast_in_dim3A_3 {strides = array<i32>} : memref<4x8x2048xf32, #tpu.memory_space<vmem>>, vector<4x8x2048xf32>,
    %broadcast_in_dim3A_7 = arith.constant 0.000000e+00 : f32
    %broadcast_in_dim3A_8 = vector.broadcast %broadcast_in_dim3A_7 : f32 to vector<4x1x1xf32>
    %scan3A = arith.constant 0 : i32
    %scan3A_9 = arith.constant 1024 : i32
    %scan3A_10 = arith.addi %scan3A, %scan3A_9 : i32
    %scan3A_11 = arith.constant 1 : i32
    %scan3A_12 = scf.for %scan3A_14 = %scan3A to %scan3A_10 step %scan3A_11 iter_args(%scan3A_15 = %broadcast_in_dim3A_8) -> (vector<4x1x1xf32>)  : i32 {
      %eq3A = vector.broadcast %scan3A_15 : vector<4x1x1xf32> to vector<4x8x2048xf32>
      %eq3A_16 = arith.cmpf oeq, %convert_element_type3A, %eq3A : vector<4x8x2048xf32>
      %convert_element_type3A_17 = arith.extui %eq3A_16 : vector<4x8x2048xi1> to vector<4x8x2048xi32>
      %convert_element_type3A_18 = arith.sitofp %convert_element_type3A_17 : vector<4x8x2048xi32> to vector<4x8x2048xf32>
      %get3A = arith.constant 0 : index
      %get3A_19 = arith.constant 0 : index
      %get3A_20 = arith.constant 0 : index
      %get3A_21 = vector.load %arg0[%get3A, %get3A_19, %get3A_20] : memref<4x8x2048xf32, #tpu.memory_space<vmem>>, vector<4x8x2048xf32>
      %get3A_22 = arith.constant 0 : index
      %get3A_23 = arith.constant 0 : index
      %get3A_24 = arith.constant 0 : index
      %get3A_25 = vector.load %arg1[%get3A_22, %get3A_23, %get3A_24] : memref<4x8x2048xf32, #tpu.memory_space<vmem>>, vector<4x8x2048xf32>
      %get3A_26 = arith.constant 0 : index
      %get3A_27 = arith.constant 0 : index
      %get3A_28 = arith.constant 0 : index
      %get3A_29 = vector.load %arg2[%get3A_26, %get3A_27, %get3A_28] : memref<4x8x2048xf32, #tpu.memory_space<vmem>>, vector<4x8x2048xf32>
      %mul3A_30 = arith.mulf %get3A_21, %convert_element_type3A_18 : vector<4x8x2048xf32>
      %reduce_sum3A = arith.constant dense<0.000000e+00> : vector<4x2048xf32>
      %reduce_sum3A_31 = vector.multi_reduction <add>, %mul3A_30, %reduce_sum3A [1] : vector<4x8x2048xf32> to vector<4x2048xf32>
      %broadcast_in_dim3A_32 = vector.shape_cast %reduce_sum3A_31 : vector<4x2048xf32> to vector<4x1x2048xf32>
      %reduce_sum3A_33 = arith.constant dense<0.000000e+00> : vector<4x1xf32>
      %reduce_sum3A_34 = vector.multi_reduction <add>, %broadcast_in_dim3A_32, %reduce_sum3A_33 [2] : vector<4x1x2048xf32> to vector<4x1xf32>
      %broadcast_in_dim3A_35 = vector.shape_cast %reduce_sum3A_34 : vector<4x1xf32> to vector<4x1x1xf32>
      %mul3A_36 = arith.mulf %get3A_25, %convert_element_type3A_18 : vector<4x8x2048xf32>
      %reduce_sum3A_37 = arith.constant dense<0.000000e+00> : vector<4x2048xf32>
      %reduce_sum3A_38 = vector.multi_reduction <add>, %mul3A_36, %reduce_sum3A_37 [1] : vector<4x8x2048xf32> to vector<4x2048xf32>
      %broadcast_in_dim3A_39 = vector.shape_cast %reduce_sum3A_38 : vector<4x2048xf32> to vector<4x1x2048xf32>
      %reduce_sum3A_40 = arith.constant dense<0.000000e+00> : vector<4x1xf32>
      %reduce_sum3A_41 = vector.multi_reduction <add>, %broadcast_in_dim3A_39, %reduce_sum3A_40 [2] : vector<4x1x2048xf32> to vector<4x1xf32>
      %broadcast_in_dim3A_42 = vector.shape_cast %reduce_sum3A_41 : vector<4x1xf32> to vector<4x1x1xf32>
      %mul3A_43 = arith.mulf %get3A_29, %convert_element_type3A_18 : vector<4x8x2048xf32>
      %reduce_sum3A_44 = arith.constant dense<0.000000e+00> : vector<4x2048xf32>
      %reduce_sum3A_45 = vector.multi_reduction <add>, %mul3A_43, %reduce_sum3A_44 [1] : vector<4x8x2048xf32> to vector<4x2048xf32>
      %broadcast_in_dim3A_46 = vector.shape_cast %reduce_sum3A_45 : vector<4x2048xf32> to vector<4x1x2048xf32>
      %reduce_sum3A_47 = arith.constant dense<0.000000e+00> : vector<4x1xf32>
      %reduce_sum3A_48 = vector.multi_reduction <add>, %broadcast_in_dim3A_46, %reduce_sum3A_47 [2] : vector<4x1x2048xf32> to vector<4x1xf32>
      %broadcast_in_dim3A_49 = vector.shape_cast %reduce_sum3A_48 : vector<4x1xf32> to vector<4x1x1xf32>
      %convert_element_type3A_50 = arith.fptosi %scan3A_15 : vector<4x1x1xf32> to vector<4x1x1xi32>
      %swap3A_51 = arith.constant 0 : index
      %swap3A_52 = arith.index_cast %scan3A_14 : i32 to index
      %swap3A_53 = arith.constant 0 : index
      %swap3A_54 = vector.load %arg3[%swap3A_51, %swap3A_52, %swap3A_53] : memref<4x1024x1xi32, #tpu.memory_space<vmem>>, vector<4x1x1xi32>
      tpu.vector_store %arg3[%swap3A_51, %swap3A_52, %swap3A_53], %convert_element_type3A_50 {strides = array<i32>} : memref<4x1024x1xi32, #tpu.memory_space<vmem>>, vector<4x1x1xi32>,
      %concatenate3A = tpu.concatenate %broadcast_in_dim3A_35, %broadcast_in_dim3A_42, %broadcast_in_dim3A_49 in 2 : vector<4x1x1xf32>, vector<4x1x1xf32>, vector<4x1x1xf32> -> vector<4x1x3xf32>
      %swap3A_55 = arith.constant 0 : index
      %swap3A_56 = arith.index_cast %scan3A_14 : i32 to index
      %swap3A_57 = arith.constant 0 : index
      %swap3A_58 = vector.load %arg4[%swap3A_55, %swap3A_56, %swap3A_57] : memref<4x1024x3xf32, #tpu.memory_space<vmem>>, vector<4x1x3xf32>
      tpu.vector_store %arg4[%swap3A_55, %swap3A_56, %swap3A_57], %concatenate3A {strides = array<i32>} : memref<4x1024x3xf32, #tpu.memory_space<vmem>>, vector<4x1x3xf32>,
      %sub3A = vector.broadcast %broadcast_in_dim3A_35 : vector<4x1x1xf32> to vector<4x8x2048xf32>
      %sub3A_59 = arith.subf %get3A_21, %sub3A : vector<4x8x2048xf32>
      %sub3A_60 = vector.broadcast %broadcast_in_dim3A_42 : vector<4x1x1xf32> to vector<4x8x2048xf32>
      %sub3A_61 = arith.subf %get3A_25, %sub3A_60 : vector<4x8x2048xf32>
      %sub3A_62 = vector.broadcast %broadcast_in_dim3A_49 : vector<4x1x1xf32> to vector<4x8x2048xf32>
      %sub3A_63 = arith.subf %get3A_29, %sub3A_62 : vector<4x8x2048xf32>
      %mul3A_64 = arith.mulf %sub3A_59, %sub3A_59 : vector<4x8x2048xf32>
      %mul3A_65 = arith.mulf %sub3A_63, %sub3A_63 : vector<4x8x2048xf32>
      %add3A_66 = arith.addf %mul3A_64, %mul3A_65 : vector<4x8x2048xf32>
      %mul3A_67 = arith.mulf %sub3A_61, %sub3A_61 : vector<4x8x2048xf32>
      %add3A_68 = arith.addf %add3A_66, %mul3A_67 : vector<4x8x2048xf32>
      %get3A_69 = arith.constant 0 : index
      %get3A_70 = arith.constant 0 : index
      %get3A_71 = arith.constant 0 : index
      %get3A_72 = vector.load %arg5[%get3A_69, %get3A_70, %get3A_71] : memref<4x8x2048xf32, #tpu.memory_space<vmem>>, vector<4x8x2048xf32>
      %min3A = arith.minimumf %get3A_72, %add3A_68 : vector<4x8x2048xf32>
      %swap3A_73 = arith.constant 0 : index
      %swap3A_74 = arith.constant 0 : index
      %swap3A_75 = arith.constant 0 : index
      %swap3A_76 = vector.load %arg5[%swap3A_73, %swap3A_74, %swap3A_75] : memref<4x8x2048xf32, #tpu.memory_space<vmem>>, vector<4x8x2048xf32>
      tpu.vector_store %arg5[%swap3A_73, %swap3A_74, %swap3A_75], %min3A {strides = array<i32>} : memref<4x8x2048xf32, #tpu.memory_space<vmem>>, vector<4x8x2048xf32>,
      %reduce_max3A = arith.constant dense<0xFF800000> : vector<4x2048xf32>
      %reduce_max3A_77 = vector.multi_reduction <maximumf>, %min3A, %reduce_max3A [1] : vector<4x8x2048xf32> to vector<4x2048xf32>
      %broadcast_in_dim3A_78 = vector.shape_cast %reduce_max3A_77 : vector<4x2048xf32> to vector<4x1x2048xf32>
      %reduce_max3A_79 = arith.constant dense<0xFF800000> : vector<4x1xf32>
      %reduce_max3A_80 = vector.multi_reduction <maximumf>, %broadcast_in_dim3A_78, %reduce_max3A_79 [2] : vector<4x1x2048xf32> to vector<4x1xf32>
      %broadcast_in_dim3A_81 = vector.shape_cast %reduce_max3A_80 : vector<4x1xf32> to vector<4x1x1xf32>
      %eq3A_82 = vector.broadcast %broadcast_in_dim3A_81 : vector<4x1x1xf32> to vector<4x8x2048xf32>
      %eq3A_83 = arith.cmpf oeq, %min3A, %eq3A_82 : vector<4x8x2048xf32>
      %jit3A = arith.constant 3.000000e+10 : f32
      %broadcast_in_dim3A_84 = vector.broadcast %jit3A : f32 to vector<4x8x2048xf32>
      %select_n3A = arith.select %eq3A_83, %convert_element_type3A, %broadcast_in_dim3A_84 : vector<4x8x2048xi1>, vector<4x8x2048xf32>
      %reduce_min3A = arith.constant dense<0x7F800000> : vector<4x2048xf32>
      %reduce_min3A_85 = vector.multi_reduction <minimumf>, %select_n3A, %reduce_min3A [1] : vector<4x8x2048xf32> to vector<4x2048xf32>
      %broadcast_in_dim3A_86 = vector.shape_cast %reduce_min3A_85 : vector<4x2048xf32> to vector<4x1x2048xf32>
      %reduce_min3A_87 = arith.constant dense<0x7F800000> : vector<4x1xf32>
      %reduce_min3A_88 = vector.multi_reduction <minimumf>, %broadcast_in_dim3A_86, %reduce_min3A_87 [2] : vector<4x1x2048xf32> to vector<4x1xf32>
      %broadcast_in_dim3A_89 = vector.shape_cast %reduce_min3A_88 : vector<4x1xf32> to vector<4x1x1xf32>
      scf.yield %broadcast_in_dim3A_89 : vector<4x1x1xf32>
    }
    %scan3A_13 = arith.constant 1024 : i32
    return
  }
}

module attributes {stable_mosaic.version = 14 : i64} {
  func.func @_ball_body(%arg0: i32, %arg1: i32, %arg2: memref<1x3x16384xf32, #tpu.memory_space<vmem>>, %arg3: memref<1x128x3xf32, #tpu.memory_space<vmem>>, %arg4: memref<4096x128xbf16, #tpu.memory_space<vmem>>, %arg5: memref<4096x128xbf16, #tpu.memory_space<vmem>>, %arg6: memref<1x128x32xi32, #tpu.memory_space<vmem>>) attributes {dimension_semantics = [#tpu.dimension_semantics<arbitrary>, #tpu.dimension_semantics<arbitrary>], iteration_bounds = array<i64: 4, 8>, scalar_prefetch = 0 : i64, scratch_operands = 0 : i64, tpu.core_type = #tpu.core_type<tc>, window_params = [{transform_indices = @transform_0, window_bounds = array<i64: 1, 3, 16384>}, {transform_indices = @transform_1, window_bounds = array<i64: 1, 128, 3>}, {pipeline_mode = #tpu.pipeline_mode<synchronous>, transform_indices = @transform_2, window_bounds = array<i64: 4096, 128>}, {pipeline_mode = #tpu.pipeline_mode<synchronous>, transform_indices = @transform_3, window_bounds = array<i64: 4096, 128>}, {transform_indices = @transform_4, window_bounds = array<i64: 1, 128, 32>}]} {
    %get3A = arith.constant 0 : index
    %get3A_0 = arith.constant 0 : index
    %get3A_1 = arith.constant 0 : index
    %get3A_2 = vector.load %arg3[%get3A, %get3A_0, %get3A_1] : memref<1x128x3xf32, #tpu.memory_space<vmem>>, vector<1x128x3xf32>
    %get3A_3 = vector.shape_cast %get3A_2 : vector<1x128x3xf32> to vector<128x3xf32>
    %slice3A = vector.extract_strided_slice %get3A_3 {offsets = [0, 0], sizes = [128, 1], strides = [1, 1]} : vector<128x3xf32> to vector<128x1xf32>
    %slice3A_4 = vector.extract_strided_slice %get3A_3 {offsets = [0, 1], sizes = [128, 1], strides = [1, 1]} : vector<128x3xf32> to vector<128x1xf32>
    %slice3A_5 = vector.extract_strided_slice %get3A_3 {offsets = [0, 2], sizes = [128, 1], strides = [1, 1]} : vector<128x3xf32> to vector<128x1xf32>
    %get3A_6 = arith.constant 0 : index
    %get3A_7 = arith.constant 0 : index
    %get3A_8 = arith.constant 0 : index
    %get3A_9 = vector.load %arg2[%get3A_6, %get3A_7, %get3A_8] : memref<1x3x16384xf32, #tpu.memory_space<vmem>>, vector<1x1x4096xf32>
    %get3A_10 = vector.shape_cast %get3A_9 : vector<1x1x4096xf32> to vector<1x4096xf32>
    %get3A_11 = arith.constant 0 : index
    %get3A_12 = arith.constant 1 : index
    %get3A_13 = arith.constant 0 : index
    %get3A_14 = vector.load %arg2[%get3A_11, %get3A_12, %get3A_13] : memref<1x3x16384xf32, #tpu.memory_space<vmem>>, vector<1x1x4096xf32>
    %get3A_15 = vector.shape_cast %get3A_14 : vector<1x1x4096xf32> to vector<1x4096xf32>
    %get3A_16 = arith.constant 0 : index
    %get3A_17 = arith.constant 2 : index
    %get3A_18 = arith.constant 0 : index
    %get3A_19 = vector.load %arg2[%get3A_16, %get3A_17, %get3A_18] : memref<1x3x16384xf32, #tpu.memory_space<vmem>>, vector<1x1x4096xf32>
    %get3A_20 = vector.shape_cast %get3A_19 : vector<1x1x4096xf32> to vector<1x4096xf32>
    %sub3A = vector.broadcast %get3A_10 : vector<1x4096xf32> to vector<128x4096xf32>
    %sub3A_21 = vector.broadcast %slice3A : vector<128x1xf32> to vector<128x4096xf32>
    %sub3A_22 = arith.subf %sub3A, %sub3A_21 : vector<128x4096xf32>
    %sub3A_23 = vector.broadcast %get3A_15 : vector<1x4096xf32> to vector<128x4096xf32>
    %sub3A_24 = vector.broadcast %slice3A_4 : vector<128x1xf32> to vector<128x4096xf32>
    %sub3A_25 = arith.subf %sub3A_23, %sub3A_24 : vector<128x4096xf32>
    %sub3A_26 = vector.broadcast %get3A_20 : vector<1x4096xf32> to vector<128x4096xf32>
    %sub3A_27 = vector.broadcast %slice3A_5 : vector<128x1xf32> to vector<128x4096xf32>
    %sub3A_28 = arith.subf %sub3A_26, %sub3A_27 : vector<128x4096xf32>
    %mul3A = arith.mulf %sub3A_22, %sub3A_22 : vector<128x4096xf32>
    %mul3A_29 = arith.mulf %sub3A_28, %sub3A_28 : vector<128x4096xf32>
    %add3A = arith.addf %mul3A, %mul3A_29 : vector<128x4096xf32>
    %mul3A_30 = arith.mulf %sub3A_25, %sub3A_25 : vector<128x4096xf32>
    %add3A_31 = arith.addf %add3A, %mul3A_30 : vector<128x4096xf32>
    %le3A = arith.constant 2.500000e-01 : f32
    %le3A_32 = vector.broadcast %le3A : f32 to vector<128x4096xf32>
    %le3A_33 = arith.cmpf ole, %add3A_31, %le3A_32 : vector<128x4096xf32>
    %convert_element_type3A = arith.extui %le3A_33 : vector<128x4096xi1> to vector<128x4096xi32>
    %convert_element_type3A_34 = arith.sitofp %convert_element_type3A : vector<128x4096xi32> to vector<128x4096xf32>
    %convert_element_type3A_35 = arith.truncf %convert_element_type3A_34 : vector<128x4096xf32> to vector<128x4096xbf16>
    %get3A_36 = arith.constant 0 : index
    %get3A_37 = arith.constant 0 : index
    %get3A_38 = vector.load %arg4[%get3A_36, %get3A_37] : memref<4096x128xbf16, #tpu.memory_space<vmem>>, vector<4096x128xbf16>
    %dot_general3A = arith.constant dense<0.000000e+00> : vector<128x128xf32>
    %dot_general3A_39 = tpu.matmul %convert_element_type3A_35, %get3A_38, %dot_general3A {dimension_numbers = #tpu.dot_dimension_numbers<[1], [0], [0], [1], [0, 0, 1, 1], [], []>, transpose_lhs_hint = false} : vector<128x4096xbf16>, vector<4096x128xbf16>, vector<128x128xf32> -> vector<128x128xf32>
    %get3A_40 = arith.constant 0 : index
    %get3A_41 = arith.constant 0 : index
    %get3A_42 = vector.load %arg5[%get3A_40, %get3A_41] : memref<4096x128xbf16, #tpu.memory_space<vmem>>, vector<4096x128xbf16>
    %dot_general3A_43 = arith.constant dense<0.000000e+00> : vector<128x128xf32>
    %dot_general3A_44 = tpu.matmul %convert_element_type3A_35, %get3A_42, %dot_general3A_43 {dimension_numbers = #tpu.dot_dimension_numbers<[1], [0], [0], [1], [0, 0, 1, 1], [], []>, transpose_lhs_hint = false} : vector<128x4096xbf16>, vector<4096x128xbf16>, vector<128x128xf32> -> vector<128x128xf32>
    %convert_element_type3A_45 = arith.fptosi %dot_general3A_39 : vector<128x128xf32> to vector<128x128xi32>
    %convert_element_type3A_46 = arith.fptosi %dot_general3A_44 : vector<128x128xf32> to vector<128x128xi32>
    %shift_left3A = arith.constant 16 : i32
    %shift_left3A_47 = vector.broadcast %shift_left3A : i32 to vector<128x128xi32>
    %shift_left3A_48 = arith.shli %convert_element_type3A_46, %shift_left3A_47 : vector<128x128xi32>
    %add3A_49 = arith.addi %convert_element_type3A_45, %shift_left3A_48 : vector<128x128xi32>
    %get3A_50 = arith.constant 0 : index
    %get3A_51 = arith.constant 0 : index
    %get3A_52 = arith.constant 4096 : index
    %get3A_53 = vector.load %arg2[%get3A_50, %get3A_51, %get3A_52] : memref<1x3x16384xf32, #tpu.memory_space<vmem>>, vector<1x1x4096xf32>
    %get3A_54 = vector.shape_cast %get3A_53 : vector<1x1x4096xf32> to vector<1x4096xf32>
    %get3A_55 = arith.constant 0 : index
    %get3A_56 = arith.constant 1 : index
    %get3A_57 = arith.constant 4096 : index
    %get3A_58 = vector.load %arg2[%get3A_55, %get3A_56, %get3A_57] : memref<1x3x16384xf32, #tpu.memory_space<vmem>>, vector<1x1x4096xf32>
    %get3A_59 = vector.shape_cast %get3A_58 : vector<1x1x4096xf32> to vector<1x4096xf32>
    %get3A_60 = arith.constant 0 : index
    %get3A_61 = arith.constant 2 : index
    %get3A_62 = arith.constant 4096 : index
    %get3A_63 = vector.load %arg2[%get3A_60, %get3A_61, %get3A_62] : memref<1x3x16384xf32, #tpu.memory_space<vmem>>, vector<1x1x4096xf32>
    %get3A_64 = vector.shape_cast %get3A_63 : vector<1x1x4096xf32> to vector<1x4096xf32>
    %sub3A_65 = vector.broadcast %get3A_54 : vector<1x4096xf32> to vector<128x4096xf32>
    %sub3A_66 = vector.broadcast %slice3A : vector<128x1xf32> to vector<128x4096xf32>
    %sub3A_67 = arith.subf %sub3A_65, %sub3A_66 : vector<128x4096xf32>
    %sub3A_68 = vector.broadcast %get3A_59 : vector<1x4096xf32> to vector<128x4096xf32>
    %sub3A_69 = vector.broadcast %slice3A_4 : vector<128x1xf32> to vector<128x4096xf32>
    %sub3A_70 = arith.subf %sub3A_68, %sub3A_69 : vector<128x4096xf32>
    %sub3A_71 = vector.broadcast %get3A_64 : vector<1x4096xf32> to vector<128x4096xf32>
    %sub3A_72 = vector.broadcast %slice3A_5 : vector<128x1xf32> to vector<128x4096xf32>
    %sub3A_73 = arith.subf %sub3A_71, %sub3A_72 : vector<128x4096xf32>
    %mul3A_74 = arith.mulf %sub3A_67, %sub3A_67 : vector<128x4096xf32>
    %mul3A_75 = arith.mulf %sub3A_73, %sub3A_73 : vector<128x4096xf32>
    %add3A_76 = arith.addf %mul3A_74, %mul3A_75 : vector<128x4096xf32>
    %mul3A_77 = arith.mulf %sub3A_70, %sub3A_70 : vector<128x4096xf32>
    %add3A_78 = arith.addf %add3A_76, %mul3A_77 : vector<128x4096xf32>
    %le3A_79 = arith.constant 2.500000e-01 : f32
    %le3A_80 = vector.broadcast %le3A_79 : f32 to vector<128x4096xf32>
    %le3A_81 = arith.cmpf ole, %add3A_78, %le3A_80 : vector<128x4096xf32>
    %convert_element_type3A_82 = arith.extui %le3A_81 : vector<128x4096xi1> to vector<128x4096xi32>
    %convert_element_type3A_83 = arith.sitofp %convert_element_type3A_82 : vector<128x4096xi32> to vector<128x4096xf32>
    %convert_element_type3A_84 = arith.truncf %convert_element_type3A_83 : vector<128x4096xf32> to vector<128x4096xbf16>
    %get3A_85 = arith.constant 0 : index
    %get3A_86 = arith.constant 0 : index
    %get3A_87 = vector.load %arg4[%get3A_85, %get3A_86] : memref<4096x128xbf16, #tpu.memory_space<vmem>>, vector<4096x128xbf16>
    %dot_general3A_88 = arith.constant dense<0.000000e+00> : vector<128x128xf32>
    %dot_general3A_89 = tpu.matmul %convert_element_type3A_84, %get3A_87, %dot_general3A_88 {dimension_numbers = #tpu.dot_dimension_numbers<[1], [0], [0], [1], [0, 0, 1, 1], [], []>, transpose_lhs_hint = false} : vector<128x4096xbf16>, vector<4096x128xbf16>, vector<128x128xf32> -> vector<128x128xf32>
    %get3A_90 = arith.constant 0 : index
    %get3A_91 = arith.constant 0 : index
    %get3A_92 = vector.load %arg5[%get3A_90, %get3A_91] : memref<4096x128xbf16, #tpu.memory_space<vmem>>, vector<4096x128xbf16>
    %dot_general3A_93 = arith.constant dense<0.000000e+00> : vector<128x128xf32>
    %dot_general3A_94 = tpu.matmul %convert_element_type3A_84, %get3A_92, %dot_general3A_93 {dimension_numbers = #tpu.dot_dimension_numbers<[1], [0], [0], [1], [0, 0, 1, 1], [], []>, transpose_lhs_hint = false} : vector<128x4096xbf16>, vector<4096x128xbf16>, vector<128x128xf32> -> vector<128x128xf32>
    %convert_element_type3A_95 = arith.fptosi %dot_general3A_89 : vector<128x128xf32> to vector<128x128xi32>
    %convert_element_type3A_96 = arith.fptosi %dot_general3A_94 : vector<128x128xf32> to vector<128x128xi32>
    %shift_left3A_97 = arith.constant 16 : i32
    %shift_left3A_98 = vector.broadcast %shift_left3A_97 : i32 to vector<128x128xi32>
    %shift_left3A_99 = arith.shli %convert_element_type3A_96, %shift_left3A_98 : vector<128x128xi32>
    %add3A_100 = arith.addi %convert_element_type3A_95, %shift_left3A_99 : vector<128x128xi32>
    %get3A_101 = arith.constant 0 : index
    %get3A_102 = arith.constant 0 : index
    %get3A_103 = arith.constant 8192 : index
    %get3A_104 = vector.load %arg2[%get3A_101, %get3A_102, %get3A_103] : memref<1x3x16384xf32, #tpu.memory_space<vmem>>, vector<1x1x4096xf32>
    %get3A_105 = vector.shape_cast %get3A_104 : vector<1x1x4096xf32> to vector<1x4096xf32>
    %get3A_106 = arith.constant 0 : index
    %get3A_107 = arith.constant 1 : index
    %get3A_108 = arith.constant 8192 : index
    %get3A_109 = vector.load %arg2[%get3A_106, %get3A_107, %get3A_108] : memref<1x3x16384xf32, #tpu.memory_space<vmem>>, vector<1x1x4096xf32>
    %get3A_110 = vector.shape_cast %get3A_109 : vector<1x1x4096xf32> to vector<1x4096xf32>
    %get3A_111 = arith.constant 0 : index
    %get3A_112 = arith.constant 2 : index
    %get3A_113 = arith.constant 8192 : index
    %get3A_114 = vector.load %arg2[%get3A_111, %get3A_112, %get3A_113] : memref<1x3x16384xf32, #tpu.memory_space<vmem>>, vector<1x1x4096xf32>
    %get3A_115 = vector.shape_cast %get3A_114 : vector<1x1x4096xf32> to vector<1x4096xf32>
    %sub3A_116 = vector.broadcast %get3A_105 : vector<1x4096xf32> to vector<128x4096xf32>
    %sub3A_117 = vector.broadcast %slice3A : vector<128x1xf32> to vector<128x4096xf32>
    %sub3A_118 = arith.subf %sub3A_116, %sub3A_117 : vector<128x4096xf32>
    %sub3A_119 = vector.broadcast %get3A_110 : vector<1x4096xf32> to vector<128x4096xf32>
    %sub3A_120 = vector.broadcast %slice3A_4 : vector<128x1xf32> to vector<128x4096xf32>
    %sub3A_121 = arith.subf %sub3A_119, %sub3A_120 : vector<128x4096xf32>
    %sub3A_122 = vector.broadcast %get3A_115 : vector<1x4096xf32> to vector<128x4096xf32>
    %sub3A_123 = vector.broadcast %slice3A_5 : vector<128x1xf32> to vector<128x4096xf32>
    %sub3A_124 = arith.subf %sub3A_122, %sub3A_123 : vector<128x4096xf32>
    %mul3A_125 = arith.mulf %sub3A_118, %sub3A_118 : vector<128x4096xf32>
    %mul3A_126 = arith.mulf %sub3A_124, %sub3A_124 : vector<128x4096xf32>
    %add3A_127 = arith.addf %mul3A_125, %mul3A_126 : vector<128x4096xf32>
    %mul3A_128 = arith.mulf %sub3A_121, %sub3A_121 : vector<128x4096xf32>
    %add3A_129 = arith.addf %add3A_127, %mul3A_128 : vector<128x4096xf32>
    %le3A_130 = arith.constant 2.500000e-01 : f32
    %le3A_131 = vector.broadcast %le3A_130 : f32 to vector<128x4096xf32>
    %le3A_132 = arith.cmpf ole, %add3A_129, %le3A_131 : vector<128x4096xf32>
    %convert_element_type3A_133 = arith.extui %le3A_132 : vector<128x4096xi1> to vector<128x4096xi32>
    %convert_element_type3A_134 = arith.sitofp %convert_element_type3A_133 : vector<128x4096xi32> to vector<128x4096xf32>
    %convert_element_type3A_135 = arith.truncf %convert_element_type3A_134 : vector<128x4096xf32> to vector<128x4096xbf16>
    %get3A_136 = arith.constant 0 : index
    %get3A_137 = arith.constant 0 : index
    %get3A_138 = vector.load %arg4[%get3A_136, %get3A_137] : memref<4096x128xbf16, #tpu.memory_space<vmem>>, vector<4096x128xbf16>
    %dot_general3A_139 = arith.constant dense<0.000000e+00> : vector<128x128xf32>
    %dot_general3A_140 = tpu.matmul %convert_element_type3A_135, %get3A_138, %dot_general3A_139 {dimension_numbers = #tpu.dot_dimension_numbers<[1], [0], [0], [1], [0, 0, 1, 1], [], []>, transpose_lhs_hint = false} : vector<128x4096xbf16>, vector<4096x128xbf16>, vector<128x128xf32> -> vector<128x128xf32>
    %get3A_141 = arith.constant 0 : index
    %get3A_142 = arith.constant 0 : index
    %get3A_143 = vector.load %arg5[%get3A_141, %get3A_142] : memref<4096x128xbf16, #tpu.memory_space<vmem>>, vector<4096x128xbf16>
    %dot_general3A_144 = arith.constant dense<0.000000e+00> : vector<128x128xf32>
    %dot_general3A_145 = tpu.matmul %convert_element_type3A_135, %get3A_143, %dot_general3A_144 {dimension_numbers = #tpu.dot_dimension_numbers<[1], [0], [0], [1], [0, 0, 1, 1], [], []>, transpose_lhs_hint = false} : vector<128x4096xbf16>, vector<4096x128xbf16>, vector<128x128xf32> -> vector<128x128xf32>
    %convert_element_type3A_146 = arith.fptosi %dot_general3A_140 : vector<128x128xf32> to vector<128x128xi32>
    %convert_element_type3A_147 = arith.fptosi %dot_general3A_145 : vector<128x128xf32> to vector<128x128xi32>
    %shift_left3A_148 = arith.constant 16 : i32
    %shift_left3A_149 = vector.broadcast %shift_left3A_148 : i32 to vector<128x128xi32>
    %shift_left3A_150 = arith.shli %convert_element_type3A_147, %shift_left3A_149 : vector<128x128xi32>
    %add3A_151 = arith.addi %convert_element_type3A_146, %shift_left3A_150 : vector<128x128xi32>
    %get3A_152 = arith.constant 0 : index
    %get3A_153 = arith.constant 0 : index
    %get3A_154 = arith.constant 12288 : index
    %get3A_155 = vector.load %arg2[%get3A_152, %get3A_153, %get3A_154] : memref<1x3x16384xf32, #tpu.memory_space<vmem>>, vector<1x1x4096xf32>
    %get3A_156 = vector.shape_cast %get3A_155 : vector<1x1x4096xf32> to vector<1x4096xf32>
    %get3A_157 = arith.constant 0 : index
    %get3A_158 = arith.constant 1 : index
    %get3A_159 = arith.constant 12288 : index
    %get3A_160 = vector.load %arg2[%get3A_157, %get3A_158, %get3A_159] : memref<1x3x16384xf32, #tpu.memory_space<vmem>>, vector<1x1x4096xf32>
    %get3A_161 = vector.shape_cast %get3A_160 : vector<1x1x4096xf32> to vector<1x4096xf32>
    %get3A_162 = arith.constant 0 : index
    %get3A_163 = arith.constant 2 : index
    %get3A_164 = arith.constant 12288 : index
    %get3A_165 = vector.load %arg2[%get3A_162, %get3A_163, %get3A_164] : memref<1x3x16384xf32, #tpu.memory_space<vmem>>, vector<1x1x4096xf32>
    %get3A_166 = vector.shape_cast %get3A_165 : vector<1x1x4096xf32> to vector<1x4096xf32>
    %sub3A_167 = vector.broadcast %get3A_156 : vector<1x4096xf32> to vector<128x4096xf32>
    %sub3A_168 = vector.broadcast %slice3A : vector<128x1xf32> to vector<128x4096xf32>
    %sub3A_169 = arith.subf %sub3A_167, %sub3A_168 : vector<128x4096xf32>
    %sub3A_170 = vector.broadcast %get3A_161 : vector<1x4096xf32> to vector<128x4096xf32>
    %sub3A_171 = vector.broadcast %slice3A_4 : vector<128x1xf32> to vector<128x4096xf32>
    %sub3A_172 = arith.subf %sub3A_170, %sub3A_171 : vector<128x4096xf32>
    %sub3A_173 = vector.broadcast %get3A_166 : vector<1x4096xf32> to vector<128x4096xf32>
    %sub3A_174 = vector.broadcast %slice3A_5 : vector<128x1xf32> to vector<128x4096xf32>
    %sub3A_175 = arith.subf %sub3A_173, %sub3A_174 : vector<128x4096xf32>
    %mul3A_176 = arith.mulf %sub3A_169, %sub3A_169 : vector<128x4096xf32>
    %mul3A_177 = arith.mulf %sub3A_175, %sub3A_175 : vector<128x4096xf32>
    %add3A_178 = arith.addf %mul3A_176, %mul3A_177 : vector<128x4096xf32>
    %mul3A_179 = arith.mulf %sub3A_172, %sub3A_172 : vector<128x4096xf32>
    %add3A_180 = arith.addf %add3A_178, %mul3A_179 : vector<128x4096xf32>
    %le3A_181 = arith.constant 2.500000e-01 : f32
    %le3A_182 = vector.broadcast %le3A_181 : f32 to vector<128x4096xf32>
    %le3A_183 = arith.cmpf ole, %add3A_180, %le3A_182 : vector<128x4096xf32>
    %convert_element_type3A_184 = arith.extui %le3A_183 : vector<128x4096xi1> to vector<128x4096xi32>
    %convert_element_type3A_185 = arith.sitofp %convert_element_type3A_184 : vector<128x4096xi32> to vector<128x4096xf32>
    %convert_element_type3A_186 = arith.truncf %convert_element_type3A_185 : vector<128x4096xf32> to vector<128x4096xbf16>
    %get3A_187 = arith.constant 0 : index
    %get3A_188 = arith.constant 0 : index
    %get3A_189 = vector.load %arg4[%get3A_187, %get3A_188] : memref<4096x128xbf16, #tpu.memory_space<vmem>>, vector<4096x128xbf16>
    %dot_general3A_190 = arith.constant dense<0.000000e+00> : vector<128x128xf32>
    %dot_general3A_191 = tpu.matmul %convert_element_type3A_186, %get3A_189, %dot_general3A_190 {dimension_numbers = #tpu.dot_dimension_numbers<[1], [0], [0], [1], [0, 0, 1, 1], [], []>, transpose_lhs_hint = false} : vector<128x4096xbf16>, vector<4096x128xbf16>, vector<128x128xf32> -> vector<128x128xf32>
    %get3A_192 = arith.constant 0 : index
    %get3A_193 = arith.constant 0 : index
    %get3A_194 = vector.load %arg5[%get3A_192, %get3A_193] : memref<4096x128xbf16, #tpu.memory_space<vmem>>, vector<4096x128xbf16>
    %dot_general3A_195 = arith.constant dense<0.000000e+00> : vector<128x128xf32>
    %dot_general3A_196 = tpu.matmul %convert_element_type3A_186, %get3A_194, %dot_general3A_195 {dimension_numbers = #tpu.dot_dimension_numbers<[1], [0], [0], [1], [0, 0, 1, 1], [], []>, transpose_lhs_hint = false} : vector<128x4096xbf16>, vector<4096x128xbf16>, vector<128x128xf32> -> vector<128x128xf32>
    %convert_element_type3A_197 = arith.fptosi %dot_general3A_191 : vector<128x128xf32> to vector<128x128xi32>
    %convert_element_type3A_198 = arith.fptosi %dot_general3A_196 : vector<128x128xf32> to vector<128x128xi32>
    %shift_left3A_199 = arith.constant 16 : i32
    %shift_left3A_200 = vector.broadcast %shift_left3A_199 : i32 to vector<128x128xi32>
    %shift_left3A_201 = arith.shli %convert_element_type3A_198, %shift_left3A_200 : vector<128x128xi32>
    %add3A_202 = arith.addi %convert_element_type3A_197, %shift_left3A_201 : vector<128x128xi32>
    %concatenate3A = tpu.concatenate %add3A_49, %add3A_100, %add3A_151, %add3A_202 in 1 : vector<128x128xi32>, vector<128x128xi32>, vector<128x128xi32>, vector<128x128xi32> -> vector<128x512xi32>
    %iota3A = tpu.iota {dimensions = array<i32: 1>} : vector<1x32xi32>
    %convert_element_type3A_203 = arith.sitofp %iota3A : vector<1x32xi32> to vector<1x32xf32>
    %iota3A_204 = tpu.iota {dimensions = array<i32: 1>} : vector<1x512xi32>
    %convert_element_type3A_205 = arith.sitofp %iota3A_204 : vector<1x512xi32> to vector<1x512xf32>
    %broadcast_in_dim3A = arith.constant 0.000000e+00 : f32
    %broadcast_in_dim3A_206 = vector.broadcast %broadcast_in_dim3A : f32 to vector<128x32xf32>
    %scan3A = arith.constant 0 : i32
    %scan3A_207 = arith.constant 32 : i32
    %scan3A_208 = arith.addi %scan3A, %scan3A_207 : i32
    %scan3A_209 = arith.constant 1 : i32
    %scan3A_210:2 = scf.for %scan3A_232 = %scan3A to %scan3A_208 step %scan3A_209 iter_args(%scan3A_233 = %concatenate3A, %scan3A_234 = %broadcast_in_dim3A_206) -> (vector<128x512xi32>, vector<128x32xf32>)  : i32 {
      %ne3A = arith.constant 0 : i32
      %ne3A_235 = vector.broadcast %ne3A : i32 to vector<128x512xi32>
      %ne3A_236 = arith.cmpi ne, %scan3A_233, %ne3A_235 : vector<128x512xi32>
      %jit3A_237 = arith.constant 5.120000e+02 : f32
      %broadcast_in_dim3A_238 = vector.shape_cast %convert_element_type3A_205 : vector<1x512xf32> to vector<1x512xf32>
      %broadcast_in_dim3A_239 = vector.broadcast %broadcast_in_dim3A_238 : vector<1x512xf32> to vector<128x512xf32>
      %broadcast_in_dim3A_240 = vector.broadcast %jit3A_237 : f32 to vector<128x512xf32>
      %select_n3A_241 = arith.select %ne3A_236, %broadcast_in_dim3A_239, %broadcast_in_dim3A_240 : vector<128x512xi1>, vector<128x512xf32>
      %reduce_min3A = arith.constant dense<0x7F800000> : vector<128xf32>
      %reduce_min3A_242 = vector.multi_reduction <minimumf>, %select_n3A_241, %reduce_min3A [1] : vector<128x512xf32> to vector<128xf32>
      %broadcast_in_dim3A_243 = vector.shape_cast %reduce_min3A_242 : vector<128xf32> to vector<128x1xf32>
      %eq3A_244 = vector.broadcast %convert_element_type3A_205 : vector<1x512xf32> to vector<128x512xf32>
      %eq3A_245 = vector.broadcast %broadcast_in_dim3A_243 : vector<128x1xf32> to vector<128x512xf32>
      %eq3A_246 = arith.cmpf oeq, %eq3A_244, %eq3A_245 : vector<128x512xf32>
      %convert_element_type3A_247 = arith.extui %eq3A_246 : vector<128x512xi1> to vector<128x512xi32>
      %mul3A_248 = arith.muli %scan3A_233, %convert_element_type3A_247 : vector<128x512xi32>
      %reduce_sum3A = arith.constant dense<0> : vector<128xi32>
      %reduce_sum3A_249 = vector.multi_reduction <add>, %mul3A_248, %reduce_sum3A [1] : vector<128x512xi32> to vector<128xi32>
      %broadcast_in_dim3A_250 = vector.shape_cast %reduce_sum3A_249 : vector<128xi32> to vector<128x1xi32>
      %neg3A = arith.constant 0 : i32
      %neg3A_251 = vector.broadcast %neg3A : i32 to vector<128x1xi32>
      %neg3A_252 = arith.subi %neg3A_251, %broadcast_in_dim3A_250 : vector<128x1xi32>
      %and3A = arith.andi %broadcast_in_dim3A_250, %neg3A_252 : vector<128x1xi32>
      %convert_element_type3A_253 = arith.sitofp %and3A : vector<128x1xi32> to vector<128x1xf32>
      %abs3A = math.absf %convert_element_type3A_253 : vector<128x1xf32>
      %bitcast_convert_type3A = tpu.bitcast %abs3A : vector<128x1xf32> -> vector<128x1xi32>
      %shift_right_arithmetic3A = arith.constant 23 : i32
      %shift_right_arithmetic3A_254 = vector.broadcast %shift_right_arithmetic3A : i32 to vector<128x1xi32>
      %shift_right_arithmetic3A_255 = arith.shrsi %bitcast_convert_type3A, %shift_right_arithmetic3A_254 : vector<128x1xi32>
      %sub3A_256 = arith.constant 127 : i32
      %sub3A_257 = vector.broadcast %sub3A_256 : i32 to vector<128x1xi32>
      %sub3A_258 = arith.subi %shift_right_arithmetic3A_255, %sub3A_257 : vector<128x1xi32>
      %mul3A_259 = arith.constant 3.200000e+01 : f32
      %mul3A_260 = vector.broadcast %mul3A_259 : f32 to vector<128x1xf32>
      %mul3A_261 = arith.mulf %broadcast_in_dim3A_243, %mul3A_260 : vector<128x1xf32>
      %convert_element_type3A_262 = arith.sitofp %sub3A_258 : vector<128x1xi32> to vector<128x1xf32>
      %add3A_263 = arith.addf %mul3A_261, %convert_element_type3A_262 : vector<128x1xf32>
      %lt3A = arith.constant 5.120000e+02 : f32
      %lt3A_264 = vector.broadcast %lt3A : f32 to vector<128x1xf32>
      %lt3A_265 = arith.cmpf olt, %broadcast_in_dim3A_243, %lt3A_264 : vector<128x1xf32>
      %jit3A_266 = arith.constant 1.638400e+04 : f32
      %broadcast_in_dim3A_267 = vector.broadcast %jit3A_266 : f32 to vector<128x1xf32>
      %select_n3A_268 = arith.select %lt3A_265, %add3A_263, %broadcast_in_dim3A_267 : vector<128x1xi1>, vector<128x1xf32>
      %mul3A_269 = vector.broadcast %and3A : vector<128x1xi32> to vector<128x512xi32>
      %mul3A_270 = arith.muli %convert_element_type3A_247, %mul3A_269 : vector<128x512xi32>
      %sub3A_271 = arith.subi %scan3A_233, %mul3A_270 : vector<128x512xi32>
      %convert_element_type3A_272 = arith.sitofp %scan3A_232 : i32 to f32
      %eq3A_273 = vector.broadcast %convert_element_type3A_272 : f32 to vector<1x32xf32>
      %eq3A_274 = arith.cmpf oeq, %convert_element_type3A_203, %eq3A_273 : vector<1x32xf32>
      %convert_element_type3A_275 = arith.extui %eq3A_274 : vector<1x32xi1> to vector<1x32xi32>
      %convert_element_type3A_276 = arith.sitofp %convert_element_type3A_275 : vector<1x32xi32> to vector<1x32xf32>
      %mul3A_277 = vector.broadcast %select_n3A_268 : vector<128x1xf32> to vector<128x32xf32>
      %mul3A_278 = vector.broadcast %convert_element_type3A_276 : vector<1x32xf32> to vector<128x32xf32>
      %mul3A_279 = arith.mulf %mul3A_277, %mul3A_278 : vector<128x32xf32>
      %add3A_280 = arith.addf %scan3A_234, %mul3A_279 : vector<128x32xf32>
      scf.yield %sub3A_271, %add3A_280 : vector<128x512xi32>, vector<128x32xf32>
    }
    %scan3A_211 = arith.constant 32 : i32
    %slice3A_212 = vector.extract_strided_slice %scan3A_210#1 {offsets = [0, 0], sizes = [128, 1], strides = [1, 1]} : vector<128x32xf32> to vector<128x1xf32>
    %eq3A = arith.constant 1.638400e+04 : f32
    %eq3A_213 = vector.broadcast %eq3A : f32 to vector<128x32xf32>
    %eq3A_214 = arith.cmpf oeq, %scan3A_210#1, %eq3A_213 : vector<128x32xf32>
    %broadcast_in_dim3A_215 = vector.shape_cast %slice3A_212 : vector<128x1xf32> to vector<128x1xf32>
    %broadcast_in_dim3A_216 = vector.broadcast %broadcast_in_dim3A_215 : vector<128x1xf32> to vector<128x32xf32>
    %select_n3A = arith.select %eq3A_214, %broadcast_in_dim3A_216, %scan3A_210#1 : vector<128x32xi1>, vector<128x32xf32>
    %eq3A_217 = arith.constant 1.638400e+04 : f32
    %eq3A_218 = vector.broadcast %eq3A_217 : f32 to vector<128x32xf32>
    %eq3A_219 = arith.cmpf oeq, %select_n3A, %eq3A_218 : vector<128x32xf32>
    %jit3A = arith.constant 0.000000e+00 : f32
    %broadcast_in_dim3A_220 = vector.broadcast %jit3A : f32 to vector<128x32xf32>
    %select_n3A_221 = arith.select %eq3A_219, %broadcast_in_dim3A_220, %select_n3A : vector<128x32xi1>, vector<128x32xf32>
    %convert_element_type3A_222 = arith.fptosi %select_n3A_221 : vector<128x32xf32> to vector<128x32xi32>
    %mul3A_223 = arith.constant 16384 : i32
    %mul3A_224 = arith.muli %arg0, %mul3A_223 : i32
    %add3A_225 = vector.broadcast %mul3A_224 : i32 to vector<128x32xi32>
    %add3A_226 = arith.addi %convert_element_type3A_222, %add3A_225 : vector<128x32xi32>
    %swap3A = arith.constant 0 : index
    %swap3A_227 = arith.constant 0 : index
    %swap3A_228 = arith.constant 0 : index
    %swap3A_229 = vector.load %arg6[%swap3A, %swap3A_227, %swap3A_228] : memref<1x128x32xi32, #tpu.memory_space<vmem>>, vector<1x128x32xi32>
    %swap3A_230 = vector.shape_cast %swap3A_229 : vector<1x128x32xi32> to vector<128x32xi32>
    %swap3A_231 = vector.shape_cast %add3A_226 : vector<128x32xi32> to vector<1x128x32xi32>
    tpu.vector_store %arg6[%swap3A, %swap3A_227, %swap3A_228], %swap3A_231 {strides = array<i32>} : memref<1x128x32xi32, #tpu.memory_space<vmem>>, vector<1x128x32xi32>,
    return
  }
  func.func @transform_0(%arg0: i32, %arg1: i32) -> (i32, i32, i32) {
    %c0_i32 = arith.constant 0 : i32
    %c0_i32_0 = arith.constant 0 : i32
    %c0_i32_1 = arith.constant 0 : i32
    return %arg0, %c0_i32, %c0_i32_0 : i32, i32, i32
  }
  func.func @transform_1(%arg0: i32, %arg1: i32) -> (i32, i32, i32) {
    %c0_i32 = arith.constant 0 : i32
    %c0_i32_0 = arith.constant 0 : i32
    return %arg0, %arg1, %c0_i32 : i32, i32, i32
  }
  func.func @transform_2(%arg0: i32, %arg1: i32) -> (i32, i32) {
    %c0_i32 = arith.constant 0 : i32
    %c0_i32_0 = arith.constant 0 : i32
    %c0_i32_1 = arith.constant 0 : i32
    return %c0_i32, %c0_i32_0 : i32, i32
  }
  func.func @transform_3(%arg0: i32, %arg1: i32) -> (i32, i32) {
    %c0_i32 = arith.constant 0 : i32
    %c0_i32_0 = arith.constant 0 : i32
    %c0_i32_1 = arith.constant 0 : i32
    return %c0_i32, %c0_i32_0 : i32, i32
  }
  func.func @transform_4(%arg0: i32, %arg1: i32) -> (i32, i32, i32) {
    %c0_i32 = arith.constant 0 : i32
    %c0_i32_0 = arith.constant 0 : i32
    return %arg0, %arg1, %c0_i32 : i32, i32, i32
  }
}

module attributes {stable_mosaic.version = 14 : i64} {
  func.func @_mlp_body(%arg0: i32, %arg1: i32, %arg2: memref<1x128x32x128xf32, #tpu.memory_space<vmem>>, %arg3: memref<1x128x128xf32, #tpu.memory_space<vmem>>, %arg4: memref<64x128xf32, #tpu.memory_space<vmem>>, %arg5: memref<1x64xf32, #tpu.memory_space<vmem>>, %arg6: memref<1x64xf32, #tpu.memory_space<vmem>>, %arg7: memref<64x64xf32, #tpu.memory_space<vmem>>, %arg8: memref<1x64xf32, #tpu.memory_space<vmem>>, %arg9: memref<1x64xf32, #tpu.memory_space<vmem>>, %arg10: memref<128x64xf32, #tpu.memory_space<vmem>>, %arg11: memref<1x128xf32, #tpu.memory_space<vmem>>, %arg12: memref<1x128xf32, #tpu.memory_space<vmem>>, %arg13: memref<1x128x128xf32, #tpu.memory_space<vmem>>) attributes {dimension_semantics = [#tpu.dimension_semantics<arbitrary>, #tpu.dimension_semantics<arbitrary>], iteration_bounds = array<i64: 4, 8>, scalar_prefetch = 0 : i64, scratch_operands = 0 : i64, tpu.core_type = #tpu.core_type<tc>, window_params = [{transform_indices = @transform_0, window_bounds = array<i64: 1, 128, 32, 128>}, {transform_indices = @transform_1, window_bounds = array<i64: 1, 128, 128>}, {pipeline_mode = #tpu.pipeline_mode<synchronous>, transform_indices = @transform_2, window_bounds = array<i64: 64, 128>}, {pipeline_mode = #tpu.pipeline_mode<synchronous>, transform_indices = @transform_3, window_bounds = array<i64: 1, 64>}, {pipeline_mode = #tpu.pipeline_mode<synchronous>, transform_indices = @transform_4, window_bounds = array<i64: 1, 64>}, {pipeline_mode = #tpu.pipeline_mode<synchronous>, transform_indices = @transform_5, window_bounds = array<i64: 64, 64>}, {pipeline_mode = #tpu.pipeline_mode<synchronous>, transform_indices = @transform_6, window_bounds = array<i64: 1, 64>}, {pipeline_mode = #tpu.pipeline_mode<synchronous>, transform_indices = @transform_7, window_bounds = array<i64: 1, 64>}, {pipeline_mode = #tpu.pipeline_mode<synchronous>, transform_indices = @transform_8, window_bounds = array<i64: 128, 64>}, {pipeline_mode = #tpu.pipeline_mode<synchronous>, transform_indices = @transform_9, window_bounds = array<i64: 1, 128>}, {pipeline_mode = #tpu.pipeline_mode<synchronous>, transform_indices = @transform_10, window_bounds = array<i64: 1, 128>}, {transform_indices = @transform_11, window_bounds = array<i64: 1, 128, 128>}]} {
    %get3A = arith.constant 0 : index
    %get3A_0 = arith.constant 0 : index
    %get3A_1 = arith.constant 0 : index
    %get3A_2 = arith.constant 0 : index
    %get3A_3 = vector.load %arg2[%get3A, %get3A_0, %get3A_1, %get3A_2] : memref<1x128x32x128xf32, #tpu.memory_space<vmem>>, vector<1x128x32x128xf32>
    %get3A_4 = vector.shape_cast %get3A_3 : vector<1x128x32x128xf32> to vector<128x32x128xf32>
    %get3A_5 = arith.constant 0 : index
    %get3A_6 = arith.constant 0 : index
    %get3A_7 = arith.constant 0 : index
    %get3A_8 = vector.load %arg3[%get3A_5, %get3A_6, %get3A_7] : memref<1x128x128xf32, #tpu.memory_space<vmem>>, vector<1x128x128xf32>
    %get3A_9 = vector.shape_cast %get3A_8 : vector<1x128x128xf32> to vector<128x128xf32>
    %broadcast_in_dim3A = vector.shape_cast %get3A_9 : vector<128x128xf32> to vector<128x1x128xf32>
    %sub3A = vector.broadcast %broadcast_in_dim3A : vector<128x1x128xf32> to vector<128x32x128xf32>
    %sub3A_10 = arith.subf %get3A_4, %sub3A : vector<128x32x128xf32>
    %reshape3A = vector.shape_cast %sub3A_10 : vector<128x32x128xf32> to vector<4096x128xf32>
    %get3A_11 = arith.constant 0 : index
    %get3A_12 = arith.constant 0 : index
    %get3A_13 = vector.load %arg4[%get3A_11, %get3A_12] : memref<64x128xf32, #tpu.memory_space<vmem>>, vector<64x128xf32>
    %dot_general3A = arith.constant dense<0.000000e+00> : vector<4096x64xf32>
    %dot_general3A_14 = tpu.matmul %reshape3A, %get3A_13, %dot_general3A {dimension_numbers = #tpu.dot_dimension_numbers<[1], [1], [0], [0], [0, 0, 1, 0], [], []>, transpose_lhs_hint = false} : vector<4096x128xf32>, vector<64x128xf32>, vector<4096x64xf32> -> vector<4096x64xf32>
    %get3A_15 = arith.constant 0 : index
    %get3A_16 = arith.constant 0 : index
    %get3A_17 = vector.load %arg5[%get3A_15, %get3A_16] : memref<1x64xf32, #tpu.memory_space<vmem>>, vector<1x64xf32>
    %mul3A = vector.broadcast %get3A_17 : vector<1x64xf32> to vector<4096x64xf32>
    %mul3A_18 = arith.mulf %dot_general3A_14, %mul3A : vector<4096x64xf32>
    %get3A_19 = arith.constant 0 : index
    %get3A_20 = arith.constant 0 : index
    %get3A_21 = vector.load %arg6[%get3A_19, %get3A_20] : memref<1x64xf32, #tpu.memory_space<vmem>>, vector<1x64xf32>
    %add3A = vector.broadcast %get3A_21 : vector<1x64xf32> to vector<4096x64xf32>
    %add3A_22 = arith.addf %mul3A_18, %add3A : vector<4096x64xf32>
    %max3A = arith.constant 0.000000e+00 : f32
    %max3A_23 = vector.broadcast %max3A : f32 to vector<4096x64xf32>
    %max3A_24 = arith.maximumf %add3A_22, %max3A_23 : vector<4096x64xf32>
    %get3A_25 = arith.constant 0 : index
    %get3A_26 = arith.constant 0 : index
    %get3A_27 = vector.load %arg7[%get3A_25, %get3A_26] : memref<64x64xf32, #tpu.memory_space<vmem>>, vector<64x64xf32>
    %dot_general3A_28 = arith.constant dense<0.000000e+00> : vector<4096x64xf32>
    %dot_general3A_29 = tpu.matmul %max3A_24, %get3A_27, %dot_general3A_28 {dimension_numbers = #tpu.dot_dimension_numbers<[1], [1], [0], [0], [0, 0, 1, 0], [], []>, transpose_lhs_hint = false} : vector<4096x64xf32>, vector<64x64xf32>, vector<4096x64xf32> -> vector<4096x64xf32>
    %get3A_30 = arith.constant 0 : index
    %get3A_31 = arith.constant 0 : index
    %get3A_32 = vector.load %arg8[%get3A_30, %get3A_31] : memref<1x64xf32, #tpu.memory_space<vmem>>, vector<1x64xf32>
    %mul3A_33 = vector.broadcast %get3A_32 : vector<1x64xf32> to vector<4096x64xf32>
    %mul3A_34 = arith.mulf %dot_general3A_29, %mul3A_33 : vector<4096x64xf32>
    %get3A_35 = arith.constant 0 : index
    %get3A_36 = arith.constant 0 : index
    %get3A_37 = vector.load %arg9[%get3A_35, %get3A_36] : memref<1x64xf32, #tpu.memory_space<vmem>>, vector<1x64xf32>
    %add3A_38 = vector.broadcast %get3A_37 : vector<1x64xf32> to vector<4096x64xf32>
    %add3A_39 = arith.addf %mul3A_34, %add3A_38 : vector<4096x64xf32>
    %max3A_40 = arith.constant 0.000000e+00 : f32
    %max3A_41 = vector.broadcast %max3A_40 : f32 to vector<4096x64xf32>
    %max3A_42 = arith.maximumf %add3A_39, %max3A_41 : vector<4096x64xf32>
    %get3A_43 = arith.constant 0 : index
    %get3A_44 = arith.constant 0 : index
    %get3A_45 = vector.load %arg10[%get3A_43, %get3A_44] : memref<128x64xf32, #tpu.memory_space<vmem>>, vector<128x64xf32>
    %dot_general3A_46 = arith.constant dense<0.000000e+00> : vector<4096x128xf32>
    %dot_general3A_47 = tpu.matmul %max3A_42, %get3A_45, %dot_general3A_46 {dimension_numbers = #tpu.dot_dimension_numbers<[1], [1], [0], [0], [0, 0, 1, 0], [], []>, transpose_lhs_hint = false} : vector<4096x64xf32>, vector<128x64xf32>, vector<4096x128xf32> -> vector<4096x128xf32>
    %get3A_48 = arith.constant 0 : index
    %get3A_49 = arith.constant 0 : index
    %get3A_50 = vector.load %arg11[%get3A_48, %get3A_49] : memref<1x128xf32, #tpu.memory_space<vmem>>, vector<1x128xf32>
    %mul3A_51 = vector.broadcast %get3A_50 : vector<1x128xf32> to vector<4096x128xf32>
    %mul3A_52 = arith.mulf %dot_general3A_47, %mul3A_51 : vector<4096x128xf32>
    %get3A_53 = arith.constant 0 : index
    %get3A_54 = arith.constant 0 : index
    %get3A_55 = vector.load %arg12[%get3A_53, %get3A_54] : memref<1x128xf32, #tpu.memory_space<vmem>>, vector<1x128xf32>
    %add3A_56 = vector.broadcast %get3A_55 : vector<1x128xf32> to vector<4096x128xf32>
    %add3A_57 = arith.addf %mul3A_52, %add3A_56 : vector<4096x128xf32>
    %max3A_58 = arith.constant 0.000000e+00 : f32
    %max3A_59 = vector.broadcast %max3A_58 : f32 to vector<4096x128xf32>
    %max3A_60 = arith.maximumf %add3A_57, %max3A_59 : vector<4096x128xf32>
    %reshape3A_61 = vector.shape_cast %max3A_60 : vector<4096x128xf32> to vector<128x32x128xf32>
    %reduce_max3A = arith.constant dense<0xFF800000> : vector<128x128xf32>
    %reduce_max3A_62 = vector.multi_reduction <maximumf>, %reshape3A_61, %reduce_max3A [1] : vector<128x32x128xf32> to vector<128x128xf32>
    %transpose3A = tpu.transpose %reduce_max3A_62, [1, 0] : vector<128x128xf32> -> vector<128x128xf32>
    %swap3A = arith.constant 0 : index
    %swap3A_63 = arith.constant 0 : index
    %swap3A_64 = arith.constant 0 : index
    %swap3A_65 = vector.load %arg13[%swap3A, %swap3A_63, %swap3A_64] : memref<1x128x128xf32, #tpu.memory_space<vmem>>, vector<1x128x128xf32>
    %swap3A_66 = vector.shape_cast %swap3A_65 : vector<1x128x128xf32> to vector<128x128xf32>
    %swap3A_67 = vector.shape_cast %transpose3A : vector<128x128xf32> to vector<1x128x128xf32>
    tpu.vector_store %arg13[%swap3A, %swap3A_63, %swap3A_64], %swap3A_67 {strides = array<i32>} : memref<1x128x128xf32, #tpu.memory_space<vmem>>, vector<1x128x128xf32>,
    return
  }
  func.func @transform_0(%arg0: i32, %arg1: i32) -> (i32, i32, i32, i32) {
    %c0_i32 = arith.constant 0 : i32
    %c0_i32_0 = arith.constant 0 : i32
    %c0_i32_1 = arith.constant 0 : i32
    return %arg0, %arg1, %c0_i32, %c0_i32_0 : i32, i32, i32, i32
  }
  func.func @transform_1(%arg0: i32, %arg1: i32) -> (i32, i32, i32) {
    %c0_i32 = arith.constant 0 : i32
    %c0_i32_0 = arith.constant 0 : i32
    return %arg0, %arg1, %c0_i32 : i32, i32, i32
  }
  func.func @transform_2(%arg0: i32, %arg1: i32) -> (i32, i32) {
    %c0_i32 = arith.constant 0 : i32
    %c0_i32_0 = arith.constant 0 : i32
    %c0_i32_1 = arith.constant 0 : i32
    return %c0_i32, %c0_i32_0 : i32, i32
  }
  func.func @transform_3(%arg0: i32, %arg1: i32) -> (i32, i32) {
    %c0_i32 = arith.constant 0 : i32
    %c0_i32_0 = arith.constant 0 : i32
    %c0_i32_1 = arith.constant 0 : i32
    return %c0_i32, %c0_i32_0 : i32, i32
  }
  func.func @transform_4(%arg0: i32, %arg1: i32) -> (i32, i32) {
    %c0_i32 = arith.constant 0 : i32
    %c0_i32_0 = arith.constant 0 : i32
    %c0_i32_1 = arith.constant 0 : i32
    return %c0_i32, %c0_i32_0 : i32, i32
  }
  func.func @transform_5(%arg0: i32, %arg1: i32) -> (i32, i32) {
    %c0_i32 = arith.constant 0 : i32
    %c0_i32_0 = arith.constant 0 : i32
    %c0_i32_1 = arith.constant 0 : i32
    return %c0_i32, %c0_i32_0 : i32, i32
  }
  func.func @transform_6(%arg0: i32, %arg1: i32) -> (i32, i32) {
    %c0_i32 = arith.constant 0 : i32
    %c0_i32_0 = arith.constant 0 : i32
    %c0_i32_1 = arith.constant 0 : i32
    return %c0_i32, %c0_i32_0 : i32, i32
  }
  func.func @transform_7(%arg0: i32, %arg1: i32) -> (i32, i32) {
    %c0_i32 = arith.constant 0 : i32
    %c0_i32_0 = arith.constant 0 : i32
    %c0_i32_1 = arith.constant 0 : i32
    return %c0_i32, %c0_i32_0 : i32, i32
  }
  func.func @transform_8(%arg0: i32, %arg1: i32) -> (i32, i32) {
    %c0_i32 = arith.constant 0 : i32
    %c0_i32_0 = arith.constant 0 : i32
    %c0_i32_1 = arith.constant 0 : i32
    return %c0_i32, %c0_i32_0 : i32, i32
  }
  func.func @transform_9(%arg0: i32, %arg1: i32) -> (i32, i32) {
    %c0_i32 = arith.constant 0 : i32
    %c0_i32_0 = arith.constant 0 : i32
    %c0_i32_1 = arith.constant 0 : i32
    return %c0_i32, %c0_i32_0 : i32, i32
  }
  func.func @transform_10(%arg0: i32, %arg1: i32) -> (i32, i32) {
    %c0_i32 = arith.constant 0 : i32
    %c0_i32_0 = arith.constant 0 : i32
    %c0_i32_1 = arith.constant 0 : i32
    return %c0_i32, %c0_i32_0 : i32, i32
  }
  func.func @transform_11(%arg0: i32, %arg1: i32) -> (i32, i32, i32) {
    %c0_i32 = arith.constant 0 : i32
    %c0_i32_0 = arith.constant 0 : i32
    return %arg0, %c0_i32, %arg1 : i32, i32, i32
  }
}

</mosaic_0001>

<sc_bundles>
// kernel: kernel.6.cloned.1.call-start
scs
__scs_entry_jumppad:
0x0: {  	(pc) =	sbr.rel $0x88, $3  }
0x1: {  	(tag) =	ssettag $0x0;
	lr =	simm.s32 $0x1  }
0x2: {  	[smem:$0x3F96] =	sst lr;
	_ =	strace $0xD0000000  }
0x3: {  	_ = 	snop  }
0x4: {  	_ = 	snop  }
0x5: {  	_ = 	snop  }
0x6: {  	_ = 	snop  }
0x7: {  	_ = 	snop  }
__scs_overlays_trampoline_lowered:
0x8: {  	[smem:$0x3FA5] =	sst s0  }
0x9: {  	[smem:$0x3FA6] =	sst s1  }
0xa: {  	[smem:$0x3FA7] =	sst s2  }
0xb: {  	[smem:$0x3FA8] =	sst s3  }
0xc: {  	[smem:$0x3FA9] =	sst s4  }
0xd: {  	[smem:$0x3FAA] =	sst s5  }
0xe: {  	[smem:$0x3FAB] =	sst s6  }
0xf: {  	[smem:$0x3FAC] =	sst s7  }
0x10: {  	[smem:$0x3FAD] =	sst s8  }
0x11: {  	[smem:$0x3FAE] =	sst s9;
	s0 =	simm.s32 @!p0 $0x0  }
0x12: {  	s1 =	sld [smem:$0x3F94];
	s0 =	simm.s32 @p0 $0x1  }
0x13: {  	[smem:$0x3FAF] =	sst s0;
	s0 =	simm.s32 @!p1 $0x0  }
0x14: {  	s2 =	sld [smem:$0x3F93];
	s0 =	simm.s32 @p1 $0x1  }
0x15: {  	[smem:$0x3FB0] =	sst s0;
	s0 =	simm.s32 @!p2 $0x0  }
0x16: {  	s3 =	sld [smem:$0x3FDB];
	s0 =	simm.s32 @p2 $0x1  }
0x17: {  	s4 =	simm.s32 $0x1BF5;
	[smem:$0x3FB2] =	sst s0  }
0x18: {  	s0 =	sld [smem:$0x3F95];
	_ =	swait.ge [sflag:s4], $0x0  }
0x19: {  	s7 =	sld [smem:$0x3F96]  }
0x1a: {  	s8 =	sadd.s32 $0xFFFFE003, lr  }
0x1b: {  	s9 =	sadd.s32 $0xFFFFFEF7, lr;
	s5 =	simm.s32 $0xFFFFFFFF;
	p2 =	slt.u32 s8, $0xFFFFF086  }
0x1c: {  	p1 =	slt.u32 s9, $0xF7A;
	s5 =	simm.s32 @!p2 $0x0  }
0x1d: {  	s5 =	simm.s32 @p1 $0x1;
	p0 =	seq.s32 s7, s2  }
0x1e: {  	s7 =	smul.u32 @!p0 $0xF7A, s2;
	p2 =	seq.s32 @!p0 s5, $0x0  }
0x1f: {  	s9 =	smul.u32 $0xF7A, s1;
	s8 =	simm.s32 @!p0 $0x1BF5;
	p2 =	por !p2, p0  }
0x20: {  	[sflag:s8] =	ssyncset.s32 @!p0 $0xFFFFF086;
	s6 =	sadd.s32 @!p0 s3, s7;
	s7 =	simm.s32 @!p0 $0x108  }
0x21: {  	s3 =	sadd.s32 s3, s9;
	s6 =	sadd.s32 @!p0 $0x88, s6;
	s7 =	simm.s32 @p2 $0x1082  }
0x22: {  	[simem:s7], [sflag:s8] =	dma.local @!p0 [hbm:s6], $0xF7A  }
0x23: {  	s9 =	sor.u32 $0xD0000000, s2;
	s6 =	simm.s32 $0x108;
	_ =	swait.ge @!p0 [sflag:s8], $0x0  }
0x24: {  	s3 =	sadd.s32 $0x88, s3;
	s6 =	simm.s32 @!p1 $0x1082;
	[sflag:s4] =	ssyncset.s32 $0xFFFFF086  }
0x25: {  	[simem:s6], [sflag:s4] =	dma.local [hbm:s3], $0xF7A  }
0x26: {  	[smem:$0x3F96] =	sst s1;
	(tag) =	ssettag s2;
	_ =	strace s9  }
0x27: {  	s1 =	sld [smem:$0x3FA6]  }
0x28: {  	s2 =	sld [smem:$0x3FA7]  }
0x29: {  	s4 =	sld [smem:$0x3FA9]  }
0x2a: {  	p0 =	seq.s32 s5, $0x0;
	s5 =	sld [smem:$0x3FAA]  }
0x2b: {  	s6 =	sld [smem:$0x3FAB]  }
0x2c: {  	s7 =	sld [smem:$0x3FAC]  }
0x2d: {  	s3 =	simm.s32 $0x108;
	s8 =	sld [smem:$0x3FAD]  }
0x2e: {  	s3 =	simm.s32 @!p0 $0x1082;
	s9 =	sld [smem:$0x3FAE]  }
0x2f: {  	lr =	sadd.s32 s0, s3;
	s0 =	sld [smem:$0x3FA5]  }
0x30: {  	s3 =	sld [smem:$0x3FA8]  }
0x31: {  	[smem:$0x3FB1] =	sst s10  }
0x32: {  	s10 =	sld [smem:$0x3FAF];
	_ =	sdelay $0x3  }
0x33: {  	p0 =	seq.s32 s10, $0x1;
	s10 =	sld [smem:$0x3FB1];
	_ =	sdelay $0x3  }
0x34: {  	[smem:$0x3FB1] =	sst s10  }
0x35: {  	s10 =	sld [smem:$0x3FB0];
	_ =	sdelay $0x3  }
0x36: {  	p1 =	seq.s32 s10, $0x1;
	s10 =	sld [smem:$0x3FB1];
	_ =	sdelay $0x3  }
0x37: {  	[smem:$0x3FB1] =	sst s10  }
0x38: {  	s10 =	sld [smem:$0x3FB2]  }
0x39: {  	_ = 	snop;
	(pc) =	sbr.ind lr, $3  }
0x3a: {  	_ = 	snop  }
0x3b: {  	_ = 	snop  }
0x3c: {  	p2 =	seq.s32 s10, $0x1;
	s10 =	sld [smem:$0x3FB1]  }
0x3d: {  	_ =	shalt  }
0x3e: {  	_ =	shalt  }
0x3f: {  	_ =	shalt  }
0x40: {  	_ =	shalt  }
0x41: {  	_ =	shalt  }
0x42: {  	_ =	shalt  }
0x43: {  	_ =	shalt  }
0x44: {  	_ =	shalt  }
0x45: {  	_ =	shalt  }
0x46: {  	_ =	shalt  }
0x47: {  	_ =	shalt  }
0x48: {  	_ =	shalt  }
0x49: {  	_ =	shalt  }
0x4a: {  	_ =	shalt  }
0x4b: {  	_ =	shalt  }
0x4c: {  	_ =	shalt  }
0x4d: {  	_ =	shalt  }
0x4e: {  	_ =	shalt  }
0x4f: {  	_ =	shalt  }
0x50: {  	_ =	shalt  }
0x51: {  	_ =	shalt  }
0x52: {  	_ =	shalt  }
0x53: {  	_ =	shalt  }
0x54: {  	_ =	shalt  }
0x55: {  	_ =	shalt  }
0x56: {  	_ =	shalt  }
0x57: {  	_ =	shalt  }
0x58: {  	_ =	shalt  }
0x59: {  	_ =	shalt  }
0x5a: {  	_ =	shalt  }
0x5b: {  	_ =	shalt  }
0x5c: {  	_ =	shalt  }
0x5d: {  	_ =	shalt  }
0x5e: {  	_ =	shalt  }
0x5f: {  	_ =	shalt  }
0x60: {  	_ =	shalt  }
0x61: {  	_ =	shalt  }
0x62: {  	_ =	shalt  }
0x63: {  	_ =	shalt  }
0x64: {  	_ =	shalt  }
0x65: {  	_ =	shalt  }
0x66: {  	_ =	shalt  }
0x67: {  	_ =	shalt  }
0x68: {  	_ =	shalt  }
0x69: {  	_ =	shalt  }
0x6a: {  	_ =	shalt  }
0x6b: {  	_ =	shalt  }
0x6c: {  	_ =	shalt  }
0x6d: {  	_ =	shalt  }
0x6e: {  	_ =	shalt  }
0x6f: {  	_ =	shalt  }
0x70: {  	_ =	shalt  }
0x71: {  	_ =	shalt  }
0x72: {  	_ =	shalt  }
0x73: {  	_ =	shalt  }
0x74: {  	_ =	shalt  }
0x75: {  	_ =	shalt  }
0x76: {  	_ =	shalt  }
0x77: {  	_ =	shalt  }
0x78: {  	_ =	shalt  }
0x79: {  	_ =	shalt  }
0x7a: {  	_ =	shalt  }
0x7b: {  	_ =	shalt  }
0x7c: {  	_ =	shalt  }
0x7d: {  	_ =	shalt  }
0x7e: {  	_ =	shalt  }
0x7f: {  	_ =	shalt  }
0x80: {  	_ =	shalt  }
0x81: {  	_ =	shalt  }
0x82: {  	_ =	shalt  }
0x83: {  	_ =	shalt  }
0x84: {  	_ =	shalt  }
0x85: {  	_ =	shalt  }
0x86: {  	_ =	shalt  }
0x87: {  	_ =	shalt  }
.Lfunc_end0:
.L_simem_size_0:
called_computation.1_lowered:
.L_overlay_start_0:
0x88: {  	s2 =	sld [smem:$0x3FD9]  }
0x89: {  	s3 =	sld [smem:$0x3FFE];
	_ =	sdelay $0x1  }
0x8a: {  	s1 =	srdreg.scid  }
0x8b: {  	s0 =	sand.u32 $0x1, s1  }
0x8c: {  	s14 =	sshll.u32 s0, $0xA;
	s2 =	sadd.s32 s3, s2  }
0x8d: {  	s2 =	sadd.s32 s2, s14  }
0x8e: {  	[smem:$0x3FBD] =	sst s2  }
0x8f: {  	_ = 	snop  }
0x90: {  	s2 =	sld [smem:$0x3FD0];
	_ =	sdelay $0x2  }
0x91: {  	s15 =	simm.s32 $0xA;
	s4 =	simm.s32 $0x10  }
0x92: {  	[smem:s4], [sflag:s15] =	dma.local [hbm:s2], $0x1  }
0x93: {  	_ =	swait.eq [sflag:s15], $0x1  }
0x94: {  	[sflag:s15] =	ssyncset.done $0x0  }
0x95: {  	[sflag:s15] =	ssyncadd.s32 $0xFFFFFFFF  }
0x96: {  	s16 =	sld [smem:$0x11];
	(tm) =	ssettm $0x1  }
0x97: {  	s17 =	sld [smem:$0x3FFB];
	_ =	sdelay $0x3  }
0x98: {  	_ =	strace s17  }
0x99: {  	s3 =	sld [smem:$0x3FFC];
	_ =	sdelay $0x3  }
0x9a: {  	_ =	strace s3  }
0x9b: {  	s3 =	sld [smem:$0x3FFD];
	_ =	sdelay $0x3  }
0x9c: {  	_ =	strace s3  }
0x9d: {  	_ =	strace $0x8FFFFFFF  }
0x9e: {  	s18 =	sld [smem:$0x3FDB];
	_ =	sdelay $0x1  }
0x9f: {  	s19 =	simm.s32 $_scs_section_size  }
0xa0: {  	s5 =	simm.s32 $_size__tile_overlayer_lowered;
	s6 =	simm.s32 $_tile_overlayer_lowered  }
0xa1: {  	s22 =	simm.s32 $0x1BFF;
	s21 =	sshll.u32 s6, $0x1;
	s3 =	sadd.s32 s19, s18  }
0xa2: {  	s7 =	simm.s32 $0x0;
	s20 =	sshll.u32 s5, $0x1;
	s5 =	sadd.s32 s21, s3  }
0xa3: {  	[timem:s7], [sflag:s22] =	dma.local [hbm:s5], s20  }
0xa4: {  	_ =	swait.ge [sflag:s22], s20  }
0xa5: {  	s4 =	ssub.s32 $0x0, s20;
	[sflag:s22] =	ssyncset.done $0x0  }
0xa6: {  	[sflag:s22] =	ssyncadd.s32 s4;
	_ =	sdelay $0x1  }
0xa7: {  	s23 =	simm.s32 $0x1B8B  }
0xa8: {  	_ =	swait.ge [sflag:s23], $0x1  }
0xa9: {  	[sflag:s23] =	ssyncset.done $0x0  }
0xaa: {  	s25 =	simm.s32 $0x1B8E;
	s24 =	sld [smem:$0x3FFE];
	[sflag:s23] =	ssyncadd.s32 $0xFFFFFFFF  }
0xab: {  	s26 =	simm.s32 $execute0_lowered;
	[smem:$0x3FD2] =	sst s25  }
0xac: {  	s5 =	sshll.u32 s26, $0x1;
	_ =	strace $0x80000049;
	[dreg:$0x1] =	wrdreg $0xFFFFFFFF  }
0xad: {  	s28 =	simm.s32 $_size_execute0_lowered;
	s3 =	sadd.s32 s3, s5;
	[dreg:$0x0] =	wrdreg $0x0  }
0xae: {  	s5 =	sshll.u32 s28, $0x1;
	[dreg:$0x2] =	wrdreg s3  }
0xaf: {  	[dreg:$0x3] =	wrdreg s5  }
0xb0: {  	[dreg:$0x4] =	wrdreg $0xC0  }
0xb1: {  	_ =	task [dreg:s7], $0x5FFFF  }
0xb2: {  	[dreg:$0x1] =	wrdreg $0xFFFFFFFF  }
0xb3: {  	[dreg:$0x0] =	wrdreg $0x60  }
0xb4: {  	[dreg:$0x2] =	wrdreg s24  }
0xb5: {  	[dreg:$0x3] =	wrdreg s16  }
0xb6: {  	[dreg:$0x4] =	wrdreg $0x9  }
0xb7: {  	_ =	task.clear_ibuf [dreg:s7], $0x5FFFF;
	_ =	strace $0x90000049  }
0xb8: {  	s29 =	simm.s32 $0x9;
	_ =	strace $0x80000052  }
0xb9: {  	_ =	swait.ge [sflag:s29], $0x1  }
0xba: {  	[sflag:s29] =	ssyncadd.s32 $0xFFFFFFFF  }
0xbb: {  	_ =	strace $0x90000052  }
0xbc: {  	_ =	sfence  }
0xbd: {  	s30 =	sld [smem:$0x0];
	_ =	sdelay $0x2  }
0xbe: {  	s31 =	sshll.u32 s1, $0xD;
	s1 =	sshrl.u32 s1, $0x2  }
0xbf: {  	s3 =	sand.u32 $0x4000, s31;
	s1 =	sadd.s32 s1, s30  }
0xc0: {  	s0 =	sor.u32 s3, s0;
	s1 =	sshll.u32 s1, $0x11  }
0xc1: {  	s0 =	sor.u32 s1, s0  }
0xc2: {  	s0 =	sadd.s32 $0x8F2B, s0  }
0xc3: {  	[sflag:s0] =	ssyncadd.remote.s32 $0x1  }
0xc4: {  	_ =	sfence.sel $0xFFFF  }
0xc5: {  	[dreg:$0x0] =	wrdreg $0xFFFFFFFF;
	(pc) =	sbr.abs _section_cstart, $3  }
0xc6: {  	[dreg:$0x1] =	wrdreg $0xFFFFFFFF  }
0xc7: {  	_ =	task.clear_ibuf [dreg:s7], $0x2FFFF;
	_ =	strace $0x9FFFFFFF  }
0xc8: {  	(tm) =	ssettm $0x7FFFFFFF  }
0xc9: {  	_ =	shalt  }
tec
execute0_lowered:
.L_overlay_start_1:
0x0: {  	(tag) =	ssettag $0x1  }
0x1: {  	s4 =	rddreg [dreg:$0x0]  }
0x2: {  	s1 =	rddreg [dreg:$0x1]  }
0x3: {  	s0 =	rddreg [dreg:$0x2];
	s2 =	simm.s32 $0x0  }
0x4: {  	s5 =	srdreg.scid;
	s8 =	simm.s32 $0x80;
	s9 =	simm.s32 $0x4  }
0x5: {  	s10 =	simm.s32 $0x0;
	[smem:$0x7FF] =	sst s2;
	s3 =	sadd.s32 $0x102200, s4  }
0x6: {  	s4 =	sadd.s32 $0x202200, s4;
	_ =	strace $0x8000004A;
	[dreg:$0x3] =	wrdreg s3  }
0x7: {  	s5 =	sand.u32 $0x1, s5;
	s3 =	stileid.u32;
	[dreg:$0x5] =	wrdreg s4  }
0x8: {  	s6 =	ssub.s32 $0x2, s5;
	s5 =	sshll.u32 s5, $0x4;
	[dreg:$0x4] =	wrdreg s8  }
0x9: {  	s8 =	simm.s32 $0x5;
	s7 =	sshrl.u32 s6, $0x1;
	s5 =	sor.u32 s3, s5  }
0xa: {  	s6 =	ssub.s32 s6, s7;
	s31 =	sshll.u32 s5, $0x9;
	s4 =	sshll.u32 s5, $0x5  }
0xb: {  	s7 =	simm.s32 $0x1;
	s5 =	sadd.s32 s1, s31;
	s6 =	smax.u32 s6, $0x1  }
.LBB2_1:
0xc: {  	_ =	strace $0x8000004B;
	s11 =	simm.s32 $0x1;
	p0 =	por $0x0, $0x0  }
0xd: {  	[tilespmem:s2], [sflag:$0x1] =	stream.linear.gather [hbm4b:s5+s2], $0x80, $0x200038;
	[tilespmem:$0x8100] =	vst v63  }
0xe: {  	s11 =	simm.s32 @p0 $0x0  }
0xf: {  	p4 =	por $0x1, $0x1;
	s20 =	sand.u32 $0x1, s2;
	p1 =	sne.s32 s11, $0x0  }
0x10: {  	p2 =	por $0x1, $0x1;
	s18 =	simm.s32 $0x1E;
	p0 =	por !p4, !p1  }
0x11: {  	s16 =	simm.s32 $0x0;
	p5 =	por $0x0, $0x0;
	p0 =	por !p0, !p0  }
0x12: {  	s23 =	sadd.s32 $0x0, s4;
	s30 =	sadd.s32 $0x1, s20;
	s12 =	sadd.s32 @p0 s4, s11  }
0x13: {  	_ =	strace $0x9000004B;
	s13 =	sand.u32 @p0 $0x1, s7;
	s12 =	sshll.u32 @p0 s12, $0x4  }
0x14: {  	_ =	strace @p0 $0x8000004C;
	s15 =	simm.s32 @p0 $0x0;
	s12 =	sand.u32 @p0 $0x1FFFFFF0, s12  }
0x15: {  	s14 =	sshll.u32 @p0 s13, $0x7;
	s13 =	sadd.s32 @p0 $0x1, s13;
	s12 =	sadd.s32 @p0 s1, s12  }
0x16: {  	[tilespmem:s14], [sflag:s13] =	stream.linear.gather @p0 [hbm4b:s12+s15], $0x80, $0x200038;
	[tilespmem:$0x8100] =	vst v63  }
0x17: {  	p3 =	por p2, p2;
	s21 =	sshll.u32 s20, $0xE;
	_ =	strace @p0 $0x9000004C  }
0x18: {  	s16 =	sand.u32 $0x80, s16;
	p2 =	por p5, p5;
	_ =	strace $0x8000004D  }
0x19: {  	s17 =	sadd.s32 $0x1, s11;
	s22 =	sor.u32 $0x100, s21;
	_ =	swait.ge [sflag:s30], $0x80  }
0x1a: {  	s21 =	simm.s32 $0x1;
	p6 =	por p1, p1;
	[sflag:s30] =	ssyncset.done $0x0  }
0x1b: {  	p1 =	por p3, p3;
	p4 =	por $0x1, $0x1;
	[sflag:s30] =	ssyncadd.s32 $0xFFFFFF80  }
0x1c: {  	s12 =	simm.s32 $0x1F;
	s15 =	sand.u32 @!p3 $0x1, s2;
	_ =	strace $0x9000004D  }
0x1d: {  	s13 =	simm.s32 $0x1;
	p3 =	seq.s32 s17, $0x20;
	_ =	strace $0x8000004E  }
0x1e: {  	s13 =	simm.s32 @!p0 $0x0;
	s17 =	simm.s32 @p3 $0x0;
	s19 =	rddreg [dreg:$0x4]  }
0x1f: {  	p0 =	por $0x0, $0x0;
	s14 =	sadd.s32 $0x1, s13;
	s31 =	rddreg [dreg:$0x3]  }
0x20: {  	[tilespmem:s22], [sflag:$0x5] =	stream.indirect.gather [hbm4b:s31+s19], $0x80, s16, s19, $0x2000b8;
	[tilespmem:$0x8100] =	vst v63  }
0x21: {  	p3 =	sne.s32 s11, s17;
	s21 =	simm.s32 @!p0 $0x0;
	_ =	swait.ge [sflag:s8], $0x4000  }
0x22: {  	p5 =	por !p4, !p3;
	p4 =	por $0x0, $0x0;
	[sflag:s8] =	ssyncset.done $0x0  }
0x23: {  	s13 =	simm.s32 $0x0;
	p6 =	por p4, p6;
	[sflag:s8] =	ssyncadd.s32 $0xFFFFC000  }
0x24: {  	s16 =	simm.s32 $0x0;
	s19 =	simm.s32 $0x0;
	_ =	strace $0x9000004E  }
.LBB2_2:
0x25: {  	_ =	strace @p6 $0x8000004F;
	s13 =	sadd.s32 s21, s13;
	s21 =	smov.u32 s12  }
0x26: {  	s12 =	smov.u32 s18;
	s18 =	sadd.s32 $0xFFFFFFFF, s18;
	p0 =	por p3, p3  }
0x27: {  	s28 =	sshll.u32 @p6 s23, $0xB;
	s20 =	sadd.s32 @p6 $0x3, s20;
	s24 =	simm.s32 @!p0 $0x0  }
0x28: {  	s25 =	rddreg [dreg:$0x5];
	s28 =	sand.u32 @p6 $0x1FFFF800, s28;
	s24 =	simm.s32 @p0 $0x1  }
0x29: {  	s25 =	sadd.s32 @p6 s25, s28;
	s28 =	simm.s32 @p6 $0x0;
	p0 =	sne.s32 s18, $0x0  }
0x2a: {  	[hbm4b:s25+s28] =	stream.linear.scatter @p6 [tilespmem:s22], [sflag:s20], $0x4000, $0x200038;
	[tilespmem:$0x8100] =	vst v63  }
0x2b: {  	s20 =	sadd.s32 @!p1 $0x3, s15;
	s15 =	simm.s32 @!p0 $0x0  }
0x2c: {  	s26 =	simm.s32 $0x1;
	[smem:$0x7FC] =	sst s24;
	s15 =	simm.s32 @p0 $0x1  }
0x2d: {  	s26 =	simm.s32 @!p6 $0x0;
	_ =	strace @p6 $0x9000004F;
	[smem:$0x7FD] =	sst s15  }
0x2e: {  	p5 =	por !p5, !p5;
	s19 =	sadd.s32 s26, s19;
	_ =	strace @!p1 $0x80000050  }
0x2f: {  	s24 =	sand.u32 @!p2 $0x1, s13;
	s22 =	sand.u32 @p5 $0x1, s14;
	_ =	swait.ge @!p1 [sflag:s20], $0x4000  }
0x30: {  	s15 =	smov.u32 s24;
	s24 =	sadd.s32 @p5 s4, s17;
	[sflag:s20] =	ssyncset.done @!p1 $0x0  }
0x31: {  	s25 =	sshll.u32 @p5 s22, $0x7;
	s24 =	sshll.u32 @p5 s24, $0x4;
	[sflag:s20] =	ssyncadd.s32 @!p1 $0xFFFFC000  }
0x32: {  	s20 =	sadd.s32 @p5 $0x1, s22;
	s22 =	sand.u32 @p5 $0x1FFFFFF0, s24;
	_ =	strace @!p1 $0x90000050  }
0x33: {  	s24 =	simm.s32 @p5 $0x0;
	s22 =	sadd.s32 @p5 s1, s22;
	_ =	strace @p5 $0x8000004C  }
0x34: {  	[tilespmem:s25], [sflag:s20] =	stream.linear.gather @p5 [hbm4b:s22+s24], $0x80, $0x200038;
	[tilespmem:$0x8100] =	vst v63  }
0x35: {  	s16 =	sadd.s32 s26, s16;
	s26 =	sand.u32 $0x1, s19;
	_ =	strace @p5 $0x9000004C  }
0x36: {  	s24 =	sadd.s32 $0x1, s26;
	_ =	strace $0x8000004D  }
0x37: {  	_ =	swait.ge [sflag:s24], $0x80  }
0x38: {  	[sflag:s24] =	ssyncset.done $0x0  }
0x39: {  	s20 =	simm.s32 $0x1;
	[sflag:s24] =	ssyncadd.s32 $0xFFFFFF80  }
0x3a: {  	s20 =	simm.s32 @!p5 $0x0;
	_ =	strace $0x9000004D  }
0x3b: {  	s14 =	sadd.s32 s20, s14;
	s20 =	sand.u32 $0x1, s16;
	_ =	strace $0x8000004E  }
0x3c: {  	s29 =	sshll.u32 s19, $0x7;
	s25 =	sshll.u32 s20, $0xE;
	s26 =	rddreg [dreg:$0x4]  }
0x3d: {  	s29 =	sand.u32 $0x80, s29;
	s22 =	sor.u32 $0x100, s25;
	s30 =	rddreg [dreg:$0x3]  }
0x3e: {  	[tilespmem:s22], [sflag:$0x5] =	stream.indirect.gather [hbm4b:s30+s26], $0x80, s29, s26, $0x2000b8;
	[tilespmem:$0x8100] =	vst v63  }
0x3f: {  	_ =	swait.ge [sflag:s8], $0x4000  }
0x40: {  	s31 =	sadd.s32 $0x1, s17;
	[sflag:s8] =	ssyncset.done $0x0  }
0x41: {  	s23 =	sadd.s32 s4, s11;
	s11 =	smov.u32 s17;
	[sflag:s8] =	ssyncadd.s32 $0xFFFFC000  }
0x42: {  	p3 =	seq.s32 s31, $0x20;
	s17 =	smov.u32 s31;
	_ =	strace $0x9000004E  }
0x43: {  	s17 =	simm.s32 @p3 $0x0;
	s31 =	sld [smem:$0x7FD]  }
0x44: {  	p6 =	sne.s32 s12, $0x1;
	p0 =	sne.s32 s21, $0x20;
	p3 =	sne.s32 s11, s17  }
0x45: {  	p5 =	por !p6, !p3;
	p6 =	seq.s32 s21, $0x1;
	s21 =	simm.s32 $0x1  }
0x46: {  	s21 =	simm.s32 @!p0 $0x0;
	p0 =	seq.s32 s31, $0x1  }
.Ltmp0:
0x47: {  	s30 =	sld [smem:$0x7FC];
	(pc) =	sbr.rel @p0 .LBB2_2-.Ltmp0, $4  }
0x48: {  	_ = 	snop  }
0x49: {  	p4 =	seq.s32 s12, $0x20  }
0x4a: {  	p1 =	por p2, p2;
	p2 =	por p4, p4;
	p4 =	seq.s32 s30, $0x1  }
0x4b: {  	p6 =	por p6, p4  }
0x4c: {  	_ =	strace @p6 $0x8000004F;
	s23 =	sshll.u32 @p6 s23, $0xB  }
0x4d: {  	s18 =	rddreg [dreg:$0x5];
	s23 =	sand.u32 @p6 $0x1FFFF800, s23  }
0x4e: {  	s20 =	sadd.s32 @p6 $0x3, s20;
	s18 =	sadd.s32 @p6 s18, s23;
	s23 =	simm.s32 @p6 $0x0  }
0x4f: {  	[hbm4b:s18+s23] =	stream.linear.scatter @p6 [tilespmem:s22], [sflag:s20], $0x4000, $0x200038;
	[tilespmem:$0x8100] =	vst v63  }
0x50: {  	p0 =	por !p5, !p5;
	_ =	strace @p6 $0x9000004F  }
0x51: {  	s15 =	sadd.s32 @!p1 $0x3, s15;
	s17 =	sadd.s32 @p0 s4, s17;
	_ =	strace @!p1 $0x80000050  }
0x52: {  	s14 =	sand.u32 @p0 $0x1, s14;
	s17 =	sshll.u32 @p0 s17, $0x4;
	_ =	swait.ge @!p1 [sflag:s15], $0x4000  }
0x53: {  	s18 =	simm.s32 $0x1;
	s20 =	sshll.u32 @p0 s14, $0x7;
	[sflag:s15] =	ssyncset.done @!p1 $0x0  }
0x54: {  	s14 =	sadd.s32 @p0 $0x1, s14;
	s18 =	simm.s32 @!p6 $0x0;
	[sflag:s15] =	ssyncadd.s32 @!p1 $0xFFFFC000  }
0x55: {  	s19 =	sadd.s32 s18, s19;
	s15 =	sand.u32 @p0 $0x1FFFFFF0, s17;
	_ =	strace @!p1 $0x90000050  }
0x56: {  	s17 =	simm.s32 @p0 $0x0;
	s15 =	sadd.s32 @p0 s1, s15;
	_ =	strace @p0 $0x8000004C  }
0x57: {  	[tilespmem:s20], [sflag:s14] =	stream.linear.gather @p0 [hbm4b:s15+s17], $0x80, $0x200038;
	[tilespmem:$0x8100] =	vst v63  }
0x58: {  	s25 =	sand.u32 $0x1, s19;
	_ =	strace @p0 $0x9000004C  }
0x59: {  	s14 =	sadd.s32 $0x1, s25;
	_ =	strace $0x8000004D  }
0x5a: {  	_ =	swait.ge [sflag:s14], $0x80  }
0x5b: {  	[sflag:s14] =	ssyncset.done $0x0  }
0x5c: {  	[sflag:s14] =	ssyncadd.s32 $0xFFFFFF80  }
0x5d: {  	s26 =	sadd.s32 s18, s16;
	_ =	strace $0x9000004D  }
0x5e: {  	s14 =	sand.u32 $0x1, s26;
	_ =	strace $0x8000004E  }
0x5f: {  	s30 =	sshll.u32 s19, $0x7;
	s31 =	sshll.u32 s14, $0xE;
	s28 =	rddreg [dreg:$0x4]  }
0x60: {  	s17 =	sand.u32 $0x80, s30;
	s18 =	sor.u32 $0x100, s31;
	s29 =	rddreg [dreg:$0x3]  }
0x61: {  	[tilespmem:s18], [sflag:$0x5] =	stream.indirect.gather [hbm4b:s29+s28], $0x80, s17, s28, $0x2000b8;
	[tilespmem:$0x8100] =	vst v63  }
0x62: {  	_ =	swait.ge [sflag:s8], $0x4000  }
0x63: {  	[sflag:s8] =	ssyncset.done $0x0  }
0x64: {  	p5 =	por p3, p3;
	p6 =	seq.s32 s12, $0x1;
	[sflag:s8] =	ssyncadd.s32 $0xFFFFC000  }
0x65: {  	s11 =	sadd.s32 s4, s11;
	p0 =	por p6, p5;
	_ =	strace $0x9000004E  }
0x66: {  	s11 =	sshll.u32 @p0 s11, $0xB;
	_ =	strace @p0 $0x8000004F  }
0x67: {  	s13 =	sadd.s32 s21, s13;
	s11 =	sand.u32 @p0 $0x1FFFF800, s11;
	s12 =	rddreg [dreg:$0x5]  }
0x68: {  	s14 =	sadd.s32 @p0 $0x3, s14;
	s11 =	sadd.s32 @p0 s12, s11;
	s12 =	simm.s32 @p0 $0x0  }
0x69: {  	[hbm4b:s11+s12] =	stream.linear.scatter @p0 [tilespmem:s18], [sflag:s14], $0x4000, $0x200038;
	[tilespmem:$0x8100] =	vst v63  }
0x6a: {  	p1 =	por p2, p2;
	s11 =	sand.u32 @!p2 $0x1, s13;
	_ =	strace @p0 $0x9000004F  }
0x6b: {  	s11 =	sadd.s32 @!p1 $0x3, s11;
	_ =	strace @!p1 $0x80000050  }
0x6c: {  	_ =	swait.ge @!p1 [sflag:s11], $0x4000  }
0x6d: {  	[sflag:s11] =	ssyncset.done @!p1 $0x0  }
0x6e: {  	s10 =	sadd.s32 $0x1, s10;
	[sflag:s11] =	ssyncadd.s32 @!p1 $0xFFFFC000  }
0x6f: {  	p0 =	sne.s32 s10, s6;
	_ =	strace @!p1 $0x90000050  }
.Ltmp1:
0x70: {  	_ =	strace $0x80000051;
	(pc) =	sbr.rel @p0 .LBB2_1-.Ltmp1, $4  }
0x71: {  	_ =	swait.ge [sflag:s9], $0x4000  }
0x72: {  	[sflag:s9] =	ssyncset.done $0x0  }
0x73: {  	[sflag:s9] =	ssyncadd.s32 $0xFFFFC000  }
0x74: {  	_ =	strace $0x90000051  }
0x75: {  	_ =	sfence.sel $0x180000  }
0x76: {  	[bflag:$0x0] =	sbarrier.arrive $0xFFFF  }
0x77: {  	p0 =	sne.s32 s3, $0x0;
	_ =	strace $0x9000004A  }
0x78: {  	s0 =	sadd.s32 @!p0 $0x100000, s0;
	[bflag:$0x2] =	sbarrier.arrive $0xFFFF  }
0x79: {  	[sflag:s0] =	ssyncadd.tile.s32 @!p0 $0x1;
	_ =	shalt  }
.Lfunc_end2:
_tile_overlayer_lowered:
.L_overlay_start_2:
0x7a: {  	(tag) =	ssettag $0x2  }
0x7b: {  	s0 =	rddreg [dreg:$0x0];
	s2 =	stileid.u32  }
0x7c: {  	s1 =	rddreg [dreg:$0x1];
	p0 =	sne.s32 s2, $0x0  }
0x7d: {  	s3 =	rddreg [dreg:$0x2];
	[bflag:$0x3] =	sbarrier.arrive $0xFFFF;
	s2 =	simm.s32 @!p0 $0x1C01  }
0x7e: {  	[timem:s3], [sflag:s2] =	dma.local @!p0 [hbm:s0], s1  }
0x7f: {  	s0 =	simm.s32 @!p0 $0x1  }
0x80: {  	_ =	swait.ge @!p0 [sflag:s0], s1  }
0x81: {  	s1 =	ssub.s32 @!p0 $0x0, s1;
	[sflag:s0] =	ssyncset.done @!p0 $0x0  }
0x82: {  	[sflag:s0] =	ssyncadd.s32 @!p0 s1  }
0x83: {  	[bflag:$0x3] =	sbarrier.arrive $0xFFFF  }
0x84: {  	_ =	shalt  }

// kernel: sparse-core-data-format-call.cloned.1.call-start
scs
called_computation_lowered:
.L_overlay_start_0:
0x0: {  	s1 =	sld [smem:$0x3FD9]  }
0x1: {  	s2 =	sld [smem:$0x3FFE];
	_ =	sdelay $0x1  }
0x2: {  	s3 =	srdreg.scid  }
0x3: {  	s0 =	sand.u32 $0x1, s3  }
0x4: {  	s17 =	sshll.u32 s0, $0xA;
	s1 =	sadd.s32 s2, s1  }
0x5: {  	s1 =	sadd.s32 s1, s17  }
0x6: {  	[smem:$0x3FBD] =	sst s1  }
0x7: {  	_ = 	snop  }
0x8: {  	(tm) =	ssettm $0x1  }
0x9: {  	s18 =	sld [smem:$0x3FFB];
	_ =	sdelay $0x3  }
0xa: {  	_ =	strace s18  }
0xb: {  	s1 =	sld [smem:$0x3FFC];
	_ =	sdelay $0x3  }
0xc: {  	_ =	strace s1  }
0xd: {  	s1 =	sld [smem:$0x3FFD];
	_ =	sdelay $0x3  }
0xe: {  	_ =	strace s1  }
0xf: {  	_ =	strace $0x8FFFFFFF  }
0x10: {  	s19 =	sld [smem:$0x3FDB];
	_ =	sdelay $0x1  }
0x11: {  	s20 =	simm.s32 $_scs_section_size  }
0x12: {  	s4 =	simm.s32 $_size__tile_overlayer_lowered;
	s5 =	simm.s32 $_tile_overlayer_lowered  }
0x13: {  	s23 =	simm.s32 $0x1BFF;
	s22 =	sshll.u32 s5, $0x1;
	s1 =	sadd.s32 s20, s19  }
0x14: {  	s6 =	simm.s32 $0x0;
	s21 =	sshll.u32 s4, $0x1;
	s4 =	sadd.s32 s22, s1  }
0x15: {  	[timem:s6], [sflag:s23] =	dma.local [hbm:s4], s21  }
0x16: {  	_ =	swait.ge [sflag:s23], s21  }
0x17: {  	s2 =	ssub.s32 $0x0, s21;
	[sflag:s23] =	ssyncset.done $0x0  }
0x18: {  	[sflag:s23] =	ssyncadd.s32 s2;
	_ =	sdelay $0x1  }
0x19: {  	s24 =	simm.s32 $0x1B8B  }
0x1a: {  	_ =	swait.ge [sflag:s24], $0x1  }
0x1b: {  	[sflag:s24] =	ssyncset.done $0x0  }
0x1c: {  	s26 =	simm.s32 $0x1B8E;
	s25 =	sld [smem:$0x3FFE];
	[sflag:s24] =	ssyncadd.s32 $0xFFFFFFFF  }
0x1d: {  	s27 =	simm.s32 $execute0_lowered;
	[smem:$0x3FD2] =	sst s26  }
0x1e: {  	s4 =	sshll.u32 s27, $0x1;
	_ =	strace $0x80000046;
	[dreg:$0x1] =	wrdreg $0xFFFFFFFF  }
0x1f: {  	s28 =	simm.s32 $_size_execute0_lowered;
	s1 =	sadd.s32 s1, s4;
	[dreg:$0x0] =	wrdreg $0x0  }
0x20: {  	s4 =	sshll.u32 s28, $0x1;
	[dreg:$0x2] =	wrdreg s1  }
0x21: {  	[dreg:$0x3] =	wrdreg s4  }
0x22: {  	[dreg:$0x4] =	wrdreg $0xC0  }
0x23: {  	_ =	task [dreg:s6], $0x5FFFF  }
0x24: {  	[dreg:$0x1] =	wrdreg $0xFFFFFFFF  }
0x25: {  	[dreg:$0x0] =	wrdreg $0x60  }
0x26: {  	[dreg:$0x2] =	wrdreg s25  }
0x27: {  	[dreg:$0x3] =	wrdreg $0x9  }
0x28: {  	_ =	task.clear_ibuf [dreg:s6], $0x4FFFF;
	_ =	strace $0x90000046  }
0x29: {  	s29 =	simm.s32 $0x9;
	_ =	strace $0x80000048  }
0x2a: {  	_ =	swait.ge [sflag:s29], $0x1  }
0x2b: {  	[sflag:s29] =	ssyncadd.s32 $0xFFFFFFFF  }
0x2c: {  	_ =	strace $0x90000048  }
0x2d: {  	_ =	sfence  }
0x2e: {  	s30 =	sld [smem:$0x0];
	_ =	sdelay $0x2  }
0x2f: {  	s31 =	sshll.u32 s3, $0xD;
	s3 =	sshrl.u32 s3, $0x2  }
0x30: {  	s2 =	sand.u32 $0x4000, s31;
	s1 =	sadd.s32 s3, s30  }
0x31: {  	s0 =	sor.u32 s2, s0;
	s1 =	sshll.u32 s1, $0x11  }
0x32: {  	s0 =	sor.u32 s1, s0  }
0x33: {  	s0 =	sadd.s32 $0x8F2B, s0  }
0x34: {  	[sflag:s0] =	ssyncadd.remote.s32 $0x1  }
0x35: {  	_ =	sfence.sel $0xFFFF  }
0x36: {  	[dreg:$0x0] =	wrdreg $0xFFFFFFFF;
	(pc) =	sbr.abs _section_cstart, $3  }
0x37: {  	[dreg:$0x1] =	wrdreg $0xFFFFFFFF  }
0x38: {  	_ =	task.clear_ibuf [dreg:s6], $0x2FFFF;
	_ =	strace $0x9FFFFFFF  }
0x39: {  	(tm) =	ssettm $0x7FFFFFFF  }
tec
execute0_lowered:
.L_overlay_start_1:
0x0: {  	(tag) =	ssettag $0x1  }
0x1: {  	s0 =	stileid.u32  }
0x2: {  	s1 =	srdreg.scid;
	s4 =	rddreg [dreg:$0x0]  }
0x3: {  	s7 =	simm.s32 $0x1;
	s8 =	simm.s32 $0x2;
	s15 =	simm.s32 $0x0  }
0x4: {  	s13 =	simm.s32 $0x0;
	s2 =	sshll.u32 s0, $0x5;
	s1 =	sshll.u32 s1, $0x9  }
0x5: {  	s14 =	simm.s32 $0x0;
	s10 =	simm.s32 $0x0;
	s1 =	sor.u32 s2, s1  }
0x6: {  	s12 =	simm.s32 $0x0;
	s3 =	sadd.s32 $0x2200, s4;
	s2 =	sand.u32 $0x380, s1  }
0x7: {  	s4 =	sadd.s32 $0x102200, s4;
	s1 =	rddreg [dreg:$0x1];
	s6 =	ssub.s32 $0x4000, s2  }
.Ltmp0:
0x8: {  	_ =	strace $0x80000047;
	s5 =	sand.u32 $0x380, s6;
	(pc) =	sbr.rel .LBB1_1-.Ltmp0, $4  }
0x9: {  	s9 =	smov.u32 s2;
	p0 =	sne.s32 s5, $0x0;
	s5 =	simm.s32 $0x1  }
0xa: {  	s6 =	sshrl.u32 s6, $0xA;
	s7 =	simm.s32 @!p0 $0x0;
	[sflag:s5] =	ssyncpa.u1 $0x0  }
0xb: {  	p0 =	por $0x0, $0x0;
	s6 =	sadd.s32 s7, s6;
	s7 =	sand.u32 $0x3, s0  }
0xc: {  	[sflag:s8] =	ssyncpa.u1 $0x0;
	s8 =	sadd.s32 $0x1, s6;
	s11 =	smov.u32 s7  }
.LBB1_4:
0xd: {  	v5 =	vld [tilespmem:s19+$0xFFFFFFD0];
	[tilespmem:s18+$0x2040 ss:$0x81] =	vst.msk $0xffff, v1  }
0xe: {  	v58 =	vld [tilespmem:s19+$0xFFFFFFE0];
	[tilespmem:s18+$0x2850 ss:$0x81] =	vst.msk $0xffff, v2  }
0xf: {  	s20 =	sshra.s32 s20, $0x2;
	v59 =	vld [tilespmem:s19+$0xFFFFFFF0];
	[tilespmem:s18+$0x3060 ss:$0x81] =	vst.msk $0xffff, v3  }
0x10: {  	v60 =	vld [tilespmem:s19+$0x0];
	[tilespmem:s18+$0x0 ss:$0x81] =	vst.msk $0xffff, v0;
	s17 =	sadd.s32 s20, s17  }
0x11: {  	v61 =	vld [tilespmem:s19+$0x10];
	[tilespmem:s17+$0x3870 ss:$0x81] =	vst.msk $0xffff, v4  }
0x12: {  	v62 =	vld [tilespmem:s19+$0x20];
	s15 =	sshll.u32 s15, $0x7;
	s28 =	sshll.u32 s13, $0x3;
	[tilespmem:s17+$0x810 ss:$0x81] =	vst.msk $0xffff, v5  }
0x13: {  	v63 =	vld [tilespmem:s19+$0xFFFFFFC0];
	s29 =	sand.u32 $0x1FFC00, s15;
	s18 =	sand.u32 $0x1FFC00, s28;
	[tilespmem:s17+$0x1020 ss:$0x81] =	vst.msk $0xffff, v58  }
0x14: {  	s15 =	sand.u32 $0x380, s15;
	s18 =	sadd.s32 s18, s29;
	[tilespmem:s17+$0x1830 ss:$0x81] =	vst.msk $0xffff, v59  }
0x15: {  	s14 =	sshll.u32 s14, $0x12;
	s30 =	sshrl.u32 s13, $0x3;
	s15 =	sor.u32 s15, s18;
	[tilespmem:s17+$0x2040 ss:$0x81] =	vst.msk $0xffff, v60  }
0x16: {  	s14 =	sadd.s32 s4, s14;
	s18 =	sand.u32 $0xF, s30;
	s15 =	sshrl.u32 s15, $0x3;
	[tilespmem:s17+$0x2850 ss:$0x81] =	vst.msk $0xffff, v61  }
0x17: {  	s14 =	sadd.s32 s18, s14;
	[tilespmem:s17+$0x3060 ss:$0x81] =	vst.msk $0xffff, v62;
	s15 =	sand.u32 $0x3FFF0, s15  }
0x18: {  	s31 =	sand.u32 $0x7, s13;
	[tilespmem:s17+$0x0 ss:$0x81] =	vst.msk $0xffff, v63;
	s14 =	sadd.s32 s15, s14  }
0x19: {  	[hbm4b:s14+s31] =	stream.linear.scatter [tilespmem:s16], [sflag:$0x2], $0x4000, $0x20;
	[tilespmem:$0x10100] =	vst v63  }
.LBB1_5:
0x1a: {  	s16 =	sadd.s32 $0x400, s9  }
0x1b: {  	s13 =	sadd.s32 $0x80, s10;
	s17 =	smov.u32 s10;
	p2 =	sgt.s32 s16, $0x3FFF  }
0x1c: {  	s17 =	smov.u32 @p2 s13  }
0x1d: {  	s19 =	smov.u32 s11;
	s13 =	sadd.s32 $0x4, s11;
	p3 =	sgt.s32 s17, $0x7F  }
0x1e: {  	s19 =	smov.u32 @p3 s13  }
0x1f: {  	s16 =	smov.u32 @p2 s2;
	p2 =	sgt.s32 s19, $0x3  }
0x20: {  	p1 =	slt.u32 s12, $0x2;
	s19 =	smov.u32 @p2 s7;
	p2 =	sne.s32 s12, s8  }
.Ltmp1:
0x21: {  	s18 =	simm.s32 @!p1 $0x2;
	(pc) =	sbr.rel @!p2 .LBB1_6-.Ltmp1, $4  }
0x22: {  	s15 =	smov.u32 s9;
	s14 =	smov.u32 s11;
	_ =	swait.ge @!p1 [sflag:s18], $0x4000  }
0x23: {  	p0 =	por !p0, !p0;
	[sflag:s18] =	ssyncset.done @!p1 $0x0;
	s9 =	smov.u32 s16  }
0x24: {  	s17 =	simm.s32 @p3 $0x0;
	s13 =	smov.u32 s10;
	[sflag:s18] =	ssyncadd.s32 @!p1 $0xFFFFC000  }
0x25: {  	s10 =	smov.u32 s17;
	s12 =	sadd.s32 $0x1, s12;
	s11 =	smov.u32 s19  }
.LBB1_1:
0x26: {  	p1 =	sge.u32 s12, s6;
	s31 =	sadd.s32 $0xFFFFFFFF, s12  }
0x27: {  	s16 =	sxor.u32 @!p1 $0xFFFFFFFF, s12;
	s17 =	sand.u32 @!p1 $0x78, s9;
	s18 =	sshll.u32 @!p1 s10, $0xE  }
0x28: {  	s19 =	sshll.u32 @!p1 s10, $0x7;
	s20 =	sshll.u32 @!p1 s9, $0x3;
	s16 =	sshll.u32 @!p1 s16, $0xE  }
0x29: {  	s18 =	sand.u32 @!p1 $0x1E0000, s18;
	s19 =	sand.u32 @!p1 $0x380, s19;
	s16 =	sand.u32 @!p1 $0x4000, s16  }
0x2a: {  	s18 =	sadd.s32 @!p1 s18, s20;
	s20 =	sand.u32 @!p1 $0x3C00, s20;
	s17 =	sor.u32 @!p1 s19, s17  }
0x2b: {  	s19 =	sshll.u32 @!p1 s11, $0x12;
	s17 =	sor.u32 @!p1 s20, s17;
	s18 =	sshrl.u32 @!p1 s18, $0x3  }
0x2c: {  	s19 =	sadd.s32 @!p1 s3, s19;
	s20 =	sand.u32 @!p1 $0x7, s9;
	s18 =	sand.u32 @!p1 $0x3F800, s18  }
0x2d: {  	s17 =	sshrl.u32 @!p1 s17, $0x3;
	s18 =	sadd.s32 @!p1 s18, s19;
	s19 =	sshll.u32 @!p1 s20, $0x12  }
0x2e: {  	s17 =	sadd.s32 @!p1 s17, s18;
	s18 =	sor.u32 @!p1 $0x400, s19;
	s19 =	simm.s32 @!p1 $0x20000  }
0x2f: {  	[tilespmem:s16], [sflag:$0x1] =	stream.strided.gather @!p1 [hbm4b:s17+s18], $0x4000, s19, s18, $0x38;
	[tilespmem:$0x10100] =	vst v63  }
0x30: {  	p1 =	sge.u32 s31, s6  }
.Ltmp2:
0x31: {  	_ = 	snop;
	(pc) =	sbr.rel @p1 .LBB1_5-.Ltmp2, $1  }
0x32: {  	_ =	sdelay $0x3  }
0x33: {  	s16 =	simm.s32 $0x1  }
0x34: {  	_ =	swait.ge [sflag:s5], $0x4000;
	s16 =	simm.s32 @!p0 $0x0  }
0x35: {  	[sflag:s5] =	ssyncset.done $0x0;
	s17 =	sshll.u32 s16, $0xE  }
0x36: {  	[sflag:s5] =	ssyncadd.s32 $0xFFFFC000;
	s19 =	sor.u32 $0x40, s17  }
0x37: {  	s16 =	smul.u32 $0x10200, s16;
	v0 =	vld [tilespmem:s19+$0x30]  }
0x38: {  	v3 =	vld [tilespmem:s19+$0xFFFFFFD0]  }
0x39: {  	s16 =	sshrl.u32 s16, $0x2;
	v4 =	vld [tilespmem:s19+$0xFFFFFFE0]  }
0x3a: {  	v5 =	vld [tilespmem:s19+$0xFFFFFFF0];
	s17 =	sor.u32 $0x8000, s16  }
0x3b: {  	s31 =	sand.u32 $0x1, s12;
	v1 =	vld [tilespmem:s19+$0x0];
	s18 =	sadd.s32 $0x0, s17  }
0x3c: {  	v2 =	vld [tilespmem:s19+$0x10];
	s16 =	smul.u32 $0x10200, s31;
	[tilespmem:s18+$0x3870 ss:$0x81] =	vst.msk $0xffff, v0  }
0x3d: {  	[tilespmem:s18+$0x810 ss:$0x81] =	vst.msk $0xffff, v3;
	v3 =	vld [tilespmem:s19+$0x20]  }
0x3e: {  	s16 =	sshrl.u32 s16, $0x2;
	v0 =	vld [tilespmem:s19+$0xFFFFFFC0];
	[tilespmem:s18+$0x1020 ss:$0x81] =	vst.msk $0xffff, v4;
	s19 =	sadd.s32 $0x80, s19  }
0x3f: {  	s20 =	simm.s32 $0x4;
	s21 =	simm.s32 $0x8;
	s16 =	sor.u32 $0x8000, s16;
	[tilespmem:s18+$0x1830 ss:$0x81] =	vst.msk $0xffff, v5;
	v4 =	vld [tilespmem:s19+$0x30]  }
.LBB1_3:
0x40: {  	p1 =	sne.s32 s21, $0x1FC;
	v5 =	vld [tilespmem:s19+$0xFFFFFFD0];
	[tilespmem:s18+$0x2040 ss:$0x81] =	vst.msk $0xffff, v1  }
0x41: {  	v6 =	vld [tilespmem:s19+$0xFFFFFFE0];
	[tilespmem:s18+$0x2850 ss:$0x81] =	vst.msk $0xffff, v2  }
0x42: {  	s22 =	sshra.s32 s20, $0x2;
	s20 =	smov.u32 s21;
	v7 =	vld [tilespmem:s19+$0xFFFFFFF0];
	[tilespmem:s18+$0x3060 ss:$0x81] =	vst.msk $0xffff, v3  }
.Ltmp3:
0x43: {  	v1 =	vld [tilespmem:s19+$0x0];
	[tilespmem:s18+$0x0 ss:$0x81] =	vst.msk $0xffff, v0;
	s18 =	sadd.s32 s22, s17;
	(pc) =	sbr.rel @p1 .LBB1_3-.Ltmp3, $4  }
0x44: {  	v2 =	vld [tilespmem:s19+$0x10];
	[tilespmem:s18+$0x3870 ss:$0x81] =	vst.msk $0xffff, v4  }
0x45: {  	[tilespmem:s18+$0x810 ss:$0x81] =	vst.msk $0xffff, v5;
	v3 =	vld [tilespmem:s19+$0x20]  }
0x46: {  	v0 =	vld [tilespmem:s19+$0xFFFFFFC0];
	[tilespmem:s18+$0x1020 ss:$0x81] =	vst.msk $0xffff, v6;
	s19 =	sadd.s32 $0x80, s19  }
0x47: {  	s21 =	sadd.s32 $0x4, s21;
	v4 =	vld [tilespmem:s19+$0x30];
	[tilespmem:s18+$0x1830 ss:$0x81] =	vst.msk $0xffff, v7  }
.Ltmp4:
0x48: {  	_ = 	snop;
	(pc) =	sbr.rel .LBB1_4-.Ltmp4, $1  }
0x49: {  	_ =	sdelay $0x3  }
.LBB1_6:
0x4a: {  	_ =	sfence.sel $0x180000  }
0x4b: {  	s2 =	simm.s32 $0x1;
	[bflag:$0x0] =	sbarrier.arrive $0xFFFF  }
0x4c: {  	s31 =	simm.s32 $0x2;
	[sflag:s2] =	ssyncpa.u1 $0x1  }
0x4d: {  	[sflag:s31] =	ssyncpa.u1 $0x1  }
0x4e: {  	p0 =	sne.s32 s0, $0x0;
	_ =	strace $0x90000047  }
0x4f: {  	s0 =	sadd.s32 @!p0 $0x100000, s1;
	[bflag:$0x2] =	sbarrier.arrive $0xFFFF  }
0x50: {  	[sflag:s0] =	ssyncadd.tile.s32 @!p0 $0x1;
	_ =	shalt  }
.Lfunc_end1:
_tile_overlayer_lowered:
.L_overlay_start_2:
0x51: {  	(tag) =	ssettag $0x2  }
0x52: {  	s0 =	rddreg [dreg:$0x0];
	s2 =	stileid.u32  }
0x53: {  	s1 =	rddreg [dreg:$0x1];
	p0 =	sne.s32 s2, $0x0  }
0x54: {  	s3 =	rddreg [dreg:$0x2];
	[bflag:$0x3] =	sbarrier.arrive $0xFFFF;
	s2 =	simm.s32 @!p0 $0x1C01  }
0x55: {  	[timem:s3], [sflag:s2] =	dma.local @!p0 [hbm:s0], s1  }
0x56: {  	s0 =	simm.s32 @!p0 $0x1  }
0x57: {  	_ =	swait.ge @!p0 [sflag:s0], s1  }
0x58: {  	s1 =	ssub.s32 @!p0 $0x0, s1;
	[sflag:s0] =	ssyncset.done @!p0 $0x0  }
0x59: {  	[sflag:s0] =	ssyncadd.s32 @!p0 s1  }
0x5a: {  	[bflag:$0x3] =	sbarrier.arrive $0xFFFF  }
0x5b: {  	_ =	shalt  }

</sc_bundles>
